<compile_context>
chip_gen: v7x
topology: tpu7x:2x2x1
jax: 0.10.2.dev20260603
libtpu: 0.0.44.dev20260713+nightly
codegen_flags: <defaults>
</compile_context>

<pallas_src>
import functools

import jax
import jax.numpy as jnp
from jax import lax
from jax.experimental import pallas as pl
from jax.experimental.pallas import tpu as pltpu
from jax.experimental.pallas import tpu_sc as plsc

_VOCAB = 100000
_EMBED = 128
_BATCH = 4096
_HIST = 50

_NC = 2
_NS = 16
_NW = _NC * _NS

_B = _BATCH * _HIST
_BATCH_PER_W = _BATCH // _NW
_CHUNK = 64
_SPLIT = _BATCH_PER_W // _CHUNK
_N_CHUNKS = _HIST * _SPLIT
_NBUF = 10
_N_ROUNDS = _N_CHUNKS // _NBUF


@functools.partial(
    pl.kernel,
    mesh=plsc.VectorSubcoreMesh(core_axis_name="c", subcore_axis_name="s"),
    out_type=jax.ShapeDtypeStruct((_B, _EMBED), jnp.float32),
    scratch_types=(
        [pltpu.VMEM((_N_CHUNKS, _CHUNK), jnp.int32),
         pltpu.VMEM((_NBUF, _CHUNK, _EMBED), jnp.float32)]
        + [pltpu.SemaphoreType.DMA] * (2 * _NBUF)
    ),
)
def _gather_kernel(idx_hbm, table_hbm, out_hbm, idx_v, rows_v, *sems):
    gsems = sems[:_NBUF]
    osems = sems[_NBUF:]
    wid = lax.axis_index("s") * _NC + lax.axis_index("c")
    base = wid * _BATCH_PER_W
    pltpu.sync_copy(idx_hbm.at[wid], idx_v)

    def start_gather(b, j):
        pltpu.async_copy(table_hbm.at[idx_v.at[j]], rows_v.at[b], gsems[b])

    def wait_gather(b):
        pltpu.make_async_copy(
            table_hbm.at[pl.ds(0, _CHUNK)], rows_v.at[b], gsems[b]
        ).wait()

    def start_out(b, j):
        p = j // _SPLIT
        h = j % _SPLIT
        pltpu.async_copy(
            rows_v.at[b],
            out_hbm.at[pl.ds(p * _BATCH + base + h * _CHUNK, _CHUNK)],
            osems[b],
        )

    def wait_out(b):
        pltpu.make_async_copy(
            rows_v.at[b], out_hbm.at[pl.ds(base, _CHUNK)], osems[b]
        ).wait()

    for b in range(_NBUF):
        start_gather(b, b)

    def round_body(r, carry):
        g = r * _NBUF
        for b in range(_NBUF):
            wait_gather(b)
            start_out(b, g + b)
        for b in range(_NBUF):
            wait_out(b)
            start_gather(b, g + _NBUF + b)
        return carry

    lax.fori_loop(0, _N_ROUNDS - 1, round_body, 0)

    g_last = (_N_ROUNDS - 1) * _NBUF
    for b in range(_NBUF):
        wait_gather(b)
        start_out(b, g_last + b)
    for b in range(_NBUF):
        wait_out(b)


def kernel(input, table):
    idx = (input.reshape(_NW, _BATCH_PER_W, _HIST).transpose(0, 2, 1)
           .reshape(_NW, _N_CHUNKS, _CHUNK))
    out = _gather_kernel(idx, table)
    return out.reshape(_HIST, _BATCH, _EMBED).transpose(1, 0, 2)

# --- scband reference (transcript-rebuilt; emitter-appended) ---
"""Pipeline reference for scband-embeddings-12816182411827 (READ-ONLY COPY).

The authoritative reference and input builder live on the scoring server;
editing this copy changes nothing except your own understanding.
"""

import jax, jax.numpy as jnp
import numpy as np

VOCAB = 100000
EMBED = 128
BATCH = 4096
HIST = 50


def setup_inputs(seed: int = 0) -> dict:
    key = jax.random.key(seed)
    k1, k2 = jax.random.split(key)
    indices = jax.random.randint(k1, (BATCH, HIST), 0, VOCAB, dtype=jnp.int32)
    table = jax.random.normal(k2, (VOCAB, EMBED), dtype=jnp.float32)
    # padding_idx=0: torch zero-initializes and freezes row 0
    table = table.at[0].set(0.0)
    return {"input": indices, "table": table}


def reference(input, table):
    # nn.Embedding forward: gather rows of the table
    output = jnp.take(table, input, axis=0)
    return output

if __name__ == "__main__":
    import jax
    _d = setup_inputs()
    print(jax.jit(kernel)(*tuple(_d.values())))

</pallas_src>

<mosaic_0001>
#map = affine_map<(d0, d1) -> (0, 0, 0)>
#map1 = affine_map<(d0, d1) -> (0, 0)>
module attributes {stable_mosaic.version = 14 : i64} {
  func.func @_gather_kernel(%arg0: i32, %arg1: i32, %arg2: memref<32x100x64xi32, #tpu.memory_space<hbm>>, %arg3: memref<100000x128xf32, #tpu.memory_space<hbm>>, %arg4: memref<204800x128xf32, #tpu.memory_space<hbm>>, %arg5: memref<100x64xi32, #tpu.memory_space<vmem>>, %arg6: memref<10x64x128xf32, #tpu.memory_space<vmem>>, %arg7: memref<!tpu.dma_semaphore, #tpu.memory_space<semaphore_mem>>, %arg8: memref<!tpu.dma_semaphore, #tpu.memory_space<semaphore_mem>>, %arg9: memref<!tpu.dma_semaphore, #tpu.memory_space<semaphore_mem>>, %arg10: memref<!tpu.dma_semaphore, #tpu.memory_space<semaphore_mem>>, %arg11: memref<!tpu.dma_semaphore, #tpu.memory_space<semaphore_mem>>, %arg12: memref<!tpu.dma_semaphore, #tpu.memory_space<semaphore_mem>>, %arg13: memref<!tpu.dma_semaphore, #tpu.memory_space<semaphore_mem>>, %arg14: memref<!tpu.dma_semaphore, #tpu.memory_space<semaphore_mem>>, %arg15: memref<!tpu.dma_semaphore, #tpu.memory_space<semaphore_mem>>, %arg16: memref<!tpu.dma_semaphore, #tpu.memory_space<semaphore_mem>>, %arg17: memref<!tpu.dma_semaphore, #tpu.memory_space<semaphore_mem>>, %arg18: memref<!tpu.dma_semaphore, #tpu.memory_space<semaphore_mem>>, %arg19: memref<!tpu.dma_semaphore, #tpu.memory_space<semaphore_mem>>, %arg20: memref<!tpu.dma_semaphore, #tpu.memory_space<semaphore_mem>>, %arg21: memref<!tpu.dma_semaphore, #tpu.memory_space<semaphore_mem>>, %arg22: memref<!tpu.dma_semaphore, #tpu.memory_space<semaphore_mem>>, %arg23: memref<!tpu.dma_semaphore, #tpu.memory_space<semaphore_mem>>, %arg24: memref<!tpu.dma_semaphore, #tpu.memory_space<semaphore_mem>>, %arg25: memref<!tpu.dma_semaphore, #tpu.memory_space<semaphore_mem>>, %arg26: memref<!tpu.dma_semaphore, #tpu.memory_space<semaphore_mem>>) attributes {dimension_semantics = [#tpu.dimension_semantics<core_parallel>, #tpu.dimension_semantics<subcore_parallel>], iteration_bounds = array<i64: 2, 16>, scalar_prefetch = 0 : i64, scratch_operands = 22 : i64, tpu.core_type = #tpu.core_type<sc_vector_subcore>, window_params = [{transform_indices = #map}, {transform_indices = #map1}, {transform_indices = #map1}]} {
    %mul3A = arith.constant 2 : i32
    %mul3A_0 = arith.muli %arg1, %mul3A : i32
    %add3A = arith.addi %mul3A_0, %arg0 : i32
    %mul3A_1 = arith.constant 128 : i32
    %mul3A_2 = arith.muli %add3A, %mul3A_1 : i32
    "tpu.region"() ({
      %run_scoped3A = tpu.sem_alloc : memref<!tpu.dma_semaphore, #tpu.memory_space<semaphore_mem>>
      %dma_start3A_576 = arith.constant 0 : i32
      %dma_start3A_577 = arith.constant 0 : i32
      %dma_start3A_578 = tpu.memref_slice %arg2[%add3A, %dma_start3A_576, %dma_start3A_577] : memref<32x100x64xi32, #tpu.memory_space<hbm>> -> memref<1x100x64xi32, #tpu.memory_space<hbm>>
      %dma_start3A_579 = tpu.memref_squeeze %dma_start3A_578 : memref<1x100x64xi32, #tpu.memory_space<hbm>> -> memref<100x64xi32, #tpu.memory_space<hbm>>
      %dma_start3A_580 = arith.constant 0 : i32
      %dma_start3A_581 = arith.constant 0 : i32
      %dma_start3A_582 = tpu.memref_slice %arg2[%add3A, %dma_start3A_580, %dma_start3A_581] : memref<32x100x64xi32, #tpu.memory_space<hbm>> -> memref<1x100x64xi32, #tpu.memory_space<hbm>>
      %dma_start3A_583 = tpu.memref_squeeze %dma_start3A_582 : memref<1x100x64xi32, #tpu.memory_space<hbm>> -> memref<100x64xi32, #tpu.memory_space<hbm>>
      tpu.enqueue_dma source(%dma_start3A_583 : memref<100x64xi32, #tpu.memory_space<hbm>>) target(%arg5 : memref<100x64xi32, #tpu.memory_space<vmem>>) target_semaphore(%run_scoped3A : memref<!tpu.dma_semaphore, #tpu.memory_space<semaphore_mem>>)
      %dma_wait3A_584 = arith.constant 0 : i32
      %dma_wait3A_585 = arith.constant 0 : i32
      %dma_wait3A_586 = tpu.memref_slice %arg2[%add3A, %dma_wait3A_584, %dma_wait3A_585] : memref<32x100x64xi32, #tpu.memory_space<hbm>> -> memref<1x100x64xi32, #tpu.memory_space<hbm>>
      %dma_wait3A_587 = tpu.memref_squeeze %dma_wait3A_586 : memref<1x100x64xi32, #tpu.memory_space<hbm>> -> memref<100x64xi32, #tpu.memory_space<hbm>>
      %dma_wait3A_588 = arith.constant 0 : i32
      %dma_wait3A_589 = arith.constant 0 : i32
      %dma_wait3A_590 = tpu.memref_slice %arg2[%add3A, %dma_wait3A_588, %dma_wait3A_589] : memref<32x100x64xi32, #tpu.memory_space<hbm>> -> memref<1x100x64xi32, #tpu.memory_space<hbm>>
      %dma_wait3A_591 = tpu.memref_squeeze %dma_wait3A_590 : memref<1x100x64xi32, #tpu.memory_space<hbm>> -> memref<100x64xi32, #tpu.memory_space<hbm>>
      tpu.wait_dma2 semaphore(%run_scoped3A : memref<!tpu.dma_semaphore, #tpu.memory_space<semaphore_mem>>) src(%dma_wait3A_591 : memref<100x64xi32, #tpu.memory_space<hbm>>) dst(%arg5 : memref<100x64xi32, #tpu.memory_space<vmem>>)
      tpu.yield
    }) : () -> ()
    %dma_start3A = arith.constant 0 : i32
    %dma_start3A_3 = arith.constant 0 : i32
    %dma_start3A_4 = arith.constant 0 : i32
    %dma_start3A_5 = arith.constant 0 : i32
    %dma_start3A_6 = tpu.memref_slice %arg6[%dma_start3A_3, %dma_start3A_4, %dma_start3A_5] : memref<10x64x128xf32, #tpu.memory_space<vmem>> -> memref<1x64x128xf32, #tpu.memory_space<vmem>>
    %dma_start3A_7 = tpu.memref_squeeze %dma_start3A_6 : memref<1x64x128xf32, #tpu.memory_space<vmem>> -> memref<64x128xf32, #tpu.memory_space<vmem>>
    %dma_start3A_8 = arith.constant 0 : i32
    %dma_start3A_9 = tpu.memref_slice %arg5[%dma_start3A, %dma_start3A_8] : memref<100x64xi32, #tpu.memory_space<vmem>> -> memref<1x64xi32, #tpu.memory_space<vmem>>
    %dma_start3A_10 = tpu.memref_squeeze %dma_start3A_9 : memref<1x64xi32, #tpu.memory_space<vmem>> -> memref<64xi32, #tpu.memory_space<vmem>>
    %dma_start3A_11 = arith.constant 0 : i32
    %dma_start3A_12 = arith.constant 0 : i32
    %dma_start3A_13 = tpu.memref_slice %arg3[%dma_start3A_11, %dma_start3A_12] : memref<100000x128xf32, #tpu.memory_space<hbm>> -> memref<100000x128xf32, #tpu.memory_space<hbm>>
    tpu.enqueue_indirect_dma source(%dma_start3A_13 : memref<100000x128xf32, #tpu.memory_space<hbm>>) target(%dma_start3A_7 : memref<64x128xf32, #tpu.memory_space<vmem>>) offsets(%dma_start3A_10 : memref<64xi32, #tpu.memory_space<vmem>>) semaphore(%arg7 : memref<!tpu.dma_semaphore, #tpu.memory_space<semaphore_mem>>)
    %dma_start3A_14 = arith.constant 1 : i32
    %dma_start3A_15 = arith.constant 1 : i32
    %dma_start3A_16 = arith.constant 0 : i32
    %dma_start3A_17 = arith.constant 0 : i32
    %dma_start3A_18 = tpu.memref_slice %arg6[%dma_start3A_15, %dma_start3A_16, %dma_start3A_17] : memref<10x64x128xf32, #tpu.memory_space<vmem>> -> memref<1x64x128xf32, #tpu.memory_space<vmem>>
    %dma_start3A_19 = tpu.memref_squeeze %dma_start3A_18 : memref<1x64x128xf32, #tpu.memory_space<vmem>> -> memref<64x128xf32, #tpu.memory_space<vmem>>
    %dma_start3A_20 = arith.constant 0 : i32
    %dma_start3A_21 = tpu.memref_slice %arg5[%dma_start3A_14, %dma_start3A_20] : memref<100x64xi32, #tpu.memory_space<vmem>> -> memref<1x64xi32, #tpu.memory_space<vmem>>
    %dma_start3A_22 = tpu.memref_squeeze %dma_start3A_21 : memref<1x64xi32, #tpu.memory_space<vmem>> -> memref<64xi32, #tpu.memory_space<vmem>>
    %dma_start3A_23 = arith.constant 0 : i32
    %dma_start3A_24 = arith.constant 0 : i32
    %dma_start3A_25 = tpu.memref_slice %arg3[%dma_start3A_23, %dma_start3A_24] : memref<100000x128xf32, #tpu.memory_space<hbm>> -> memref<100000x128xf32, #tpu.memory_space<hbm>>
    tpu.enqueue_indirect_dma source(%dma_start3A_25 : memref<100000x128xf32, #tpu.memory_space<hbm>>) target(%dma_start3A_19 : memref<64x128xf32, #tpu.memory_space<vmem>>) offsets(%dma_start3A_22 : memref<64xi32, #tpu.memory_space<vmem>>) semaphore(%arg8 : memref<!tpu.dma_semaphore, #tpu.memory_space<semaphore_mem>>)
    %dma_start3A_26 = arith.constant 2 : i32
    %dma_start3A_27 = arith.constant 2 : i32
    %dma_start3A_28 = arith.constant 0 : i32
    %dma_start3A_29 = arith.constant 0 : i32
    %dma_start3A_30 = tpu.memref_slice %arg6[%dma_start3A_27, %dma_start3A_28, %dma_start3A_29] : memref<10x64x128xf32, #tpu.memory_space<vmem>> -> memref<1x64x128xf32, #tpu.memory_space<vmem>>
    %dma_start3A_31 = tpu.memref_squeeze %dma_start3A_30 : memref<1x64x128xf32, #tpu.memory_space<vmem>> -> memref<64x128xf32, #tpu.memory_space<vmem>>
    %dma_start3A_32 = arith.constant 0 : i32
    %dma_start3A_33 = tpu.memref_slice %arg5[%dma_start3A_26, %dma_start3A_32] : memref<100x64xi32, #tpu.memory_space<vmem>> -> memref<1x64xi32, #tpu.memory_space<vmem>>
    %dma_start3A_34 = tpu.memref_squeeze %dma_start3A_33 : memref<1x64xi32, #tpu.memory_space<vmem>> -> memref<64xi32, #tpu.memory_space<vmem>>
    %dma_start3A_35 = arith.constant 0 : i32
    %dma_start3A_36 = arith.constant 0 : i32
    %dma_start3A_37 = tpu.memref_slice %arg3[%dma_start3A_35, %dma_start3A_36] : memref<100000x128xf32, #tpu.memory_space<hbm>> -> memref<100000x128xf32, #tpu.memory_space<hbm>>
    tpu.enqueue_indirect_dma source(%dma_start3A_37 : memref<100000x128xf32, #tpu.memory_space<hbm>>) target(%dma_start3A_31 : memref<64x128xf32, #tpu.memory_space<vmem>>) offsets(%dma_start3A_34 : memref<64xi32, #tpu.memory_space<vmem>>) semaphore(%arg9 : memref<!tpu.dma_semaphore, #tpu.memory_space<semaphore_mem>>)
    %dma_start3A_38 = arith.constant 3 : i32
    %dma_start3A_39 = arith.constant 3 : i32
    %dma_start3A_40 = arith.constant 0 : i32
    %dma_start3A_41 = arith.constant 0 : i32
    %dma_start3A_42 = tpu.memref_slice %arg6[%dma_start3A_39, %dma_start3A_40, %dma_start3A_41] : memref<10x64x128xf32, #tpu.memory_space<vmem>> -> memref<1x64x128xf32, #tpu.memory_space<vmem>>
    %dma_start3A_43 = tpu.memref_squeeze %dma_start3A_42 : memref<1x64x128xf32, #tpu.memory_space<vmem>> -> memref<64x128xf32, #tpu.memory_space<vmem>>
    %dma_start3A_44 = arith.constant 0 : i32
    %dma_start3A_45 = tpu.memref_slice %arg5[%dma_start3A_38, %dma_start3A_44] : memref<100x64xi32, #tpu.memory_space<vmem>> -> memref<1x64xi32, #tpu.memory_space<vmem>>
    %dma_start3A_46 = tpu.memref_squeeze %dma_start3A_45 : memref<1x64xi32, #tpu.memory_space<vmem>> -> memref<64xi32, #tpu.memory_space<vmem>>
    %dma_start3A_47 = arith.constant 0 : i32
    %dma_start3A_48 = arith.constant 0 : i32
    %dma_start3A_49 = tpu.memref_slice %arg3[%dma_start3A_47, %dma_start3A_48] : memref<100000x128xf32, #tpu.memory_space<hbm>> -> memref<100000x128xf32, #tpu.memory_space<hbm>>
    tpu.enqueue_indirect_dma source(%dma_start3A_49 : memref<100000x128xf32, #tpu.memory_space<hbm>>) target(%dma_start3A_43 : memref<64x128xf32, #tpu.memory_space<vmem>>) offsets(%dma_start3A_46 : memref<64xi32, #tpu.memory_space<vmem>>) semaphore(%arg10 : memref<!tpu.dma_semaphore, #tpu.memory_space<semaphore_mem>>)
    %dma_start3A_50 = arith.constant 4 : i32
    %dma_start3A_51 = arith.constant 4 : i32
    %dma_start3A_52 = arith.constant 0 : i32
    %dma_start3A_53 = arith.constant 0 : i32
    %dma_start3A_54 = tpu.memref_slice %arg6[%dma_start3A_51, %dma_start3A_52, %dma_start3A_53] : memref<10x64x128xf32, #tpu.memory_space<vmem>> -> memref<1x64x128xf32, #tpu.memory_space<vmem>>
    %dma_start3A_55 = tpu.memref_squeeze %dma_start3A_54 : memref<1x64x128xf32, #tpu.memory_space<vmem>> -> memref<64x128xf32, #tpu.memory_space<vmem>>
    %dma_start3A_56 = arith.constant 0 : i32
    %dma_start3A_57 = tpu.memref_slice %arg5[%dma_start3A_50, %dma_start3A_56] : memref<100x64xi32, #tpu.memory_space<vmem>> -> memref<1x64xi32, #tpu.memory_space<vmem>>
    %dma_start3A_58 = tpu.memref_squeeze %dma_start3A_57 : memref<1x64xi32, #tpu.memory_space<vmem>> -> memref<64xi32, #tpu.memory_space<vmem>>
    %dma_start3A_59 = arith.constant 0 : i32
    %dma_start3A_60 = arith.constant 0 : i32
    %dma_start3A_61 = tpu.memref_slice %arg3[%dma_start3A_59, %dma_start3A_60] : memref<100000x128xf32, #tpu.memory_space<hbm>> -> memref<100000x128xf32, #tpu.memory_space<hbm>>
    tpu.enqueue_indirect_dma source(%dma_start3A_61 : memref<100000x128xf32, #tpu.memory_space<hbm>>) target(%dma_start3A_55 : memref<64x128xf32, #tpu.memory_space<vmem>>) offsets(%dma_start3A_58 : memref<64xi32, #tpu.memory_space<vmem>>) semaphore(%arg11 : memref<!tpu.dma_semaphore, #tpu.memory_space<semaphore_mem>>)
    %dma_start3A_62 = arith.constant 5 : i32
    %dma_start3A_63 = arith.constant 5 : i32
    %dma_start3A_64 = arith.constant 0 : i32
    %dma_start3A_65 = arith.constant 0 : i32
    %dma_start3A_66 = tpu.memref_slice %arg6[%dma_start3A_63, %dma_start3A_64, %dma_start3A_65] : memref<10x64x128xf32, #tpu.memory_space<vmem>> -> memref<1x64x128xf32, #tpu.memory_space<vmem>>
    %dma_start3A_67 = tpu.memref_squeeze %dma_start3A_66 : memref<1x64x128xf32, #tpu.memory_space<vmem>> -> memref<64x128xf32, #tpu.memory_space<vmem>>
    %dma_start3A_68 = arith.constant 0 : i32
    %dma_start3A_69 = tpu.memref_slice %arg5[%dma_start3A_62, %dma_start3A_68] : memref<100x64xi32, #tpu.memory_space<vmem>> -> memref<1x64xi32, #tpu.memory_space<vmem>>
    %dma_start3A_70 = tpu.memref_squeeze %dma_start3A_69 : memref<1x64xi32, #tpu.memory_space<vmem>> -> memref<64xi32, #tpu.memory_space<vmem>>
    %dma_start3A_71 = arith.constant 0 : i32
    %dma_start3A_72 = arith.constant 0 : i32
    %dma_start3A_73 = tpu.memref_slice %arg3[%dma_start3A_71, %dma_start3A_72] : memref<100000x128xf32, #tpu.memory_space<hbm>> -> memref<100000x128xf32, #tpu.memory_space<hbm>>
    tpu.enqueue_indirect_dma source(%dma_start3A_73 : memref<100000x128xf32, #tpu.memory_space<hbm>>) target(%dma_start3A_67 : memref<64x128xf32, #tpu.memory_space<vmem>>) offsets(%dma_start3A_70 : memref<64xi32, #tpu.memory_space<vmem>>) semaphore(%arg12 : memref<!tpu.dma_semaphore, #tpu.memory_space<semaphore_mem>>)
    %dma_start3A_74 = arith.constant 6 : i32
    %dma_start3A_75 = arith.constant 6 : i32
    %dma_start3A_76 = arith.constant 0 : i32
    %dma_start3A_77 = arith.constant 0 : i32
    %dma_start3A_78 = tpu.memref_slice %arg6[%dma_start3A_75, %dma_start3A_76, %dma_start3A_77] : memref<10x64x128xf32, #tpu.memory_space<vmem>> -> memref<1x64x128xf32, #tpu.memory_space<vmem>>
    %dma_start3A_79 = tpu.memref_squeeze %dma_start3A_78 : memref<1x64x128xf32, #tpu.memory_space<vmem>> -> memref<64x128xf32, #tpu.memory_space<vmem>>
    %dma_start3A_80 = arith.constant 0 : i32
    %dma_start3A_81 = tpu.memref_slice %arg5[%dma_start3A_74, %dma_start3A_80] : memref<100x64xi32, #tpu.memory_space<vmem>> -> memref<1x64xi32, #tpu.memory_space<vmem>>
    %dma_start3A_82 = tpu.memref_squeeze %dma_start3A_81 : memref<1x64xi32, #tpu.memory_space<vmem>> -> memref<64xi32, #tpu.memory_space<vmem>>
    %dma_start3A_83 = arith.constant 0 : i32
    %dma_start3A_84 = arith.constant 0 : i32
    %dma_start3A_85 = tpu.memref_slice %arg3[%dma_start3A_83, %dma_start3A_84] : memref<100000x128xf32, #tpu.memory_space<hbm>> -> memref<100000x128xf32, #tpu.memory_space<hbm>>
    tpu.enqueue_indirect_dma source(%dma_start3A_85 : memref<100000x128xf32, #tpu.memory_space<hbm>>) target(%dma_start3A_79 : memref<64x128xf32, #tpu.memory_space<vmem>>) offsets(%dma_start3A_82 : memref<64xi32, #tpu.memory_space<vmem>>) semaphore(%arg13 : memref<!tpu.dma_semaphore, #tpu.memory_space<semaphore_mem>>)
    %dma_start3A_86 = arith.constant 7 : i32
    %dma_start3A_87 = arith.constant 7 : i32
    %dma_start3A_88 = arith.constant 0 : i32
    %dma_start3A_89 = arith.constant 0 : i32
    %dma_start3A_90 = tpu.memref_slice %arg6[%dma_start3A_87, %dma_start3A_88, %dma_start3A_89] : memref<10x64x128xf32, #tpu.memory_space<vmem>> -> memref<1x64x128xf32, #tpu.memory_space<vmem>>
    %dma_start3A_91 = tpu.memref_squeeze %dma_start3A_90 : memref<1x64x128xf32, #tpu.memory_space<vmem>> -> memref<64x128xf32, #tpu.memory_space<vmem>>
    %dma_start3A_92 = arith.constant 0 : i32
    %dma_start3A_93 = tpu.memref_slice %arg5[%dma_start3A_86, %dma_start3A_92] : memref<100x64xi32, #tpu.memory_space<vmem>> -> memref<1x64xi32, #tpu.memory_space<vmem>>
    %dma_start3A_94 = tpu.memref_squeeze %dma_start3A_93 : memref<1x64xi32, #tpu.memory_space<vmem>> -> memref<64xi32, #tpu.memory_space<vmem>>
    %dma_start3A_95 = arith.constant 0 : i32
    %dma_start3A_96 = arith.constant 0 : i32
    %dma_start3A_97 = tpu.memref_slice %arg3[%dma_start3A_95, %dma_start3A_96] : memref<100000x128xf32, #tpu.memory_space<hbm>> -> memref<100000x128xf32, #tpu.memory_space<hbm>>
    tpu.enqueue_indirect_dma source(%dma_start3A_97 : memref<100000x128xf32, #tpu.memory_space<hbm>>) target(%dma_start3A_91 : memref<64x128xf32, #tpu.memory_space<vmem>>) offsets(%dma_start3A_94 : memref<64xi32, #tpu.memory_space<vmem>>) semaphore(%arg14 : memref<!tpu.dma_semaphore, #tpu.memory_space<semaphore_mem>>)
    %dma_start3A_98 = arith.constant 8 : i32
    %dma_start3A_99 = arith.constant 8 : i32
    %dma_start3A_100 = arith.constant 0 : i32
    %dma_start3A_101 = arith.constant 0 : i32
    %dma_start3A_102 = tpu.memref_slice %arg6[%dma_start3A_99, %dma_start3A_100, %dma_start3A_101] : memref<10x64x128xf32, #tpu.memory_space<vmem>> -> memref<1x64x128xf32, #tpu.memory_space<vmem>>
    %dma_start3A_103 = tpu.memref_squeeze %dma_start3A_102 : memref<1x64x128xf32, #tpu.memory_space<vmem>> -> memref<64x128xf32, #tpu.memory_space<vmem>>
    %dma_start3A_104 = arith.constant 0 : i32
    %dma_start3A_105 = tpu.memref_slice %arg5[%dma_start3A_98, %dma_start3A_104] : memref<100x64xi32, #tpu.memory_space<vmem>> -> memref<1x64xi32, #tpu.memory_space<vmem>>
    %dma_start3A_106 = tpu.memref_squeeze %dma_start3A_105 : memref<1x64xi32, #tpu.memory_space<vmem>> -> memref<64xi32, #tpu.memory_space<vmem>>
    %dma_start3A_107 = arith.constant 0 : i32
    %dma_start3A_108 = arith.constant 0 : i32
    %dma_start3A_109 = tpu.memref_slice %arg3[%dma_start3A_107, %dma_start3A_108] : memref<100000x128xf32, #tpu.memory_space<hbm>> -> memref<100000x128xf32, #tpu.memory_space<hbm>>
    tpu.enqueue_indirect_dma source(%dma_start3A_109 : memref<100000x128xf32, #tpu.memory_space<hbm>>) target(%dma_start3A_103 : memref<64x128xf32, #tpu.memory_space<vmem>>) offsets(%dma_start3A_106 : memref<64xi32, #tpu.memory_space<vmem>>) semaphore(%arg15 : memref<!tpu.dma_semaphore, #tpu.memory_space<semaphore_mem>>)
    %dma_start3A_110 = arith.constant 9 : i32
    %dma_start3A_111 = arith.constant 9 : i32
    %dma_start3A_112 = arith.constant 0 : i32
    %dma_start3A_113 = arith.constant 0 : i32
    %dma_start3A_114 = tpu.memref_slice %arg6[%dma_start3A_111, %dma_start3A_112, %dma_start3A_113] : memref<10x64x128xf32, #tpu.memory_space<vmem>> -> memref<1x64x128xf32, #tpu.memory_space<vmem>>
    %dma_start3A_115 = tpu.memref_squeeze %dma_start3A_114 : memref<1x64x128xf32, #tpu.memory_space<vmem>> -> memref<64x128xf32, #tpu.memory_space<vmem>>
    %dma_start3A_116 = arith.constant 0 : i32
    %dma_start3A_117 = tpu.memref_slice %arg5[%dma_start3A_110, %dma_start3A_116] : memref<100x64xi32, #tpu.memory_space<vmem>> -> memref<1x64xi32, #tpu.memory_space<vmem>>
    %dma_start3A_118 = tpu.memref_squeeze %dma_start3A_117 : memref<1x64xi32, #tpu.memory_space<vmem>> -> memref<64xi32, #tpu.memory_space<vmem>>
    %dma_start3A_119 = arith.constant 0 : i32
    %dma_start3A_120 = arith.constant 0 : i32
    %dma_start3A_121 = tpu.memref_slice %arg3[%dma_start3A_119, %dma_start3A_120] : memref<100000x128xf32, #tpu.memory_space<hbm>> -> memref<100000x128xf32, #tpu.memory_space<hbm>>
    tpu.enqueue_indirect_dma source(%dma_start3A_121 : memref<100000x128xf32, #tpu.memory_space<hbm>>) target(%dma_start3A_115 : memref<64x128xf32, #tpu.memory_space<vmem>>) offsets(%dma_start3A_118 : memref<64xi32, #tpu.memory_space<vmem>>) semaphore(%arg16 : memref<!tpu.dma_semaphore, #tpu.memory_space<semaphore_mem>>)
    %scan3A = arith.constant 0 : i32
    %scan3A_122 = arith.constant 0 : i32
    %scan3A_123 = arith.constant 9 : i32
    %scan3A_124 = arith.addi %scan3A_122, %scan3A_123 : i32
    %scan3A_125 = arith.constant 1 : i32
    scf.for %scan3A_576 = %scan3A_122 to %scan3A_124 step %scan3A_125  : i32 {
      %mul3A_577 = arith.constant 10 : i32
      %mul3A_578 = arith.muli %scan3A_576, %mul3A_577 : i32
      %dma_wait3A_579 = arith.constant 0 : i32
      %dma_wait3A_580 = arith.constant 0 : i32
      %dma_wait3A_581 = arith.constant 0 : i32
      %dma_wait3A_582 = tpu.memref_slice %arg6[%dma_wait3A_579, %dma_wait3A_580, %dma_wait3A_581] : memref<10x64x128xf32, #tpu.memory_space<vmem>> -> memref<1x64x128xf32, #tpu.memory_space<vmem>>
      %dma_wait3A_583 = tpu.memref_squeeze %dma_wait3A_582 : memref<1x64x128xf32, #tpu.memory_space<vmem>> -> memref<64x128xf32, #tpu.memory_space<vmem>>
      %dma_wait3A_584 = arith.constant 0 : i32
      %dma_wait3A_585 = arith.constant 0 : i32
      %dma_wait3A_586 = tpu.memref_slice %arg3[%dma_wait3A_584, %dma_wait3A_585] : memref<100000x128xf32, #tpu.memory_space<hbm>> -> memref<64x128xf32, #tpu.memory_space<hbm>>
      %dma_wait3A_587 = arith.constant 0 : i32
      %dma_wait3A_588 = arith.constant 0 : i32
      %dma_wait3A_589 = tpu.memref_slice %arg6[%dma_wait3A_579, %dma_wait3A_587, %dma_wait3A_588] : memref<10x64x128xf32, #tpu.memory_space<vmem>> -> memref<1x64x128xf32, #tpu.memory_space<vmem>>
      %dma_wait3A_590 = tpu.memref_squeeze %dma_wait3A_589 : memref<1x64x128xf32, #tpu.memory_space<vmem>> -> memref<64x128xf32, #tpu.memory_space<vmem>>
      %dma_wait3A_591 = arith.constant 0 : i32
      %dma_wait3A_592 = arith.constant 0 : i32
      %dma_wait3A_593 = tpu.memref_slice %arg3[%dma_wait3A_591, %dma_wait3A_592] : memref<100000x128xf32, #tpu.memory_space<hbm>> -> memref<64x128xf32, #tpu.memory_space<hbm>>
      tpu.wait_dma2 semaphore(%arg7 : memref<!tpu.dma_semaphore, #tpu.memory_space<semaphore_mem>>) src(%dma_wait3A_593 : memref<64x128xf32, #tpu.memory_space<hbm>>) dst(%dma_wait3A_590 : memref<64x128xf32, #tpu.memory_space<vmem>>)
      %add3A_594 = arith.constant 0 : i32
      %add3A_595 = arith.addi %mul3A_578, %add3A_594 : i32
      %jit3A = arith.constant 2 : i32
      %div3A = arith.divsi %add3A_595, %jit3A : i32
      %sign3A = arith.constant 0 : i32
      %sign3A_596 = arith.cmpi sgt, %add3A_595, %sign3A : i32
      %sign3A_597 = arith.extui %sign3A_596 : i1 to i32
      %sign3A_598 = arith.constant 0 : i32
      %sign3A_599 = arith.cmpi slt, %add3A_595, %sign3A_598 : i32
      %sign3A_600 = arith.extui %sign3A_599 : i1 to i32
      %sign3A_601 = arith.subi %sign3A_597, %sign3A_600 : i32
      %sign3A_602 = arith.constant 0 : i32
      %sign3A_603 = arith.cmpi sgt, %jit3A, %sign3A_602 : i32
      %sign3A_604 = arith.extui %sign3A_603 : i1 to i32
      %sign3A_605 = arith.constant 0 : i32
      %sign3A_606 = arith.cmpi slt, %jit3A, %sign3A_605 : i32
      %sign3A_607 = arith.extui %sign3A_606 : i1 to i32
      %sign3A_608 = arith.subi %sign3A_604, %sign3A_607 : i32
      %ne3A = arith.cmpi ne, %sign3A_601, %sign3A_608 : i32
      %rem3A = arith.remsi %add3A_595, %jit3A : i32
      %ne3A_609 = arith.constant 0 : i32
      %ne3A_610 = arith.cmpi ne, %rem3A, %ne3A_609 : i32
      %and3A = arith.andi %ne3A, %ne3A_610 : i1
      %sub3A = arith.constant 1 : i32
      %sub3A_611 = arith.subi %div3A, %sub3A : i32
      %select_n3A = arith.select %and3A, %sub3A_611, %div3A : i32
      %jit3A_612 = arith.constant 2 : i32
      %eq3A = arith.constant 0 : i32
      %eq3A_613 = arith.cmpi eq, %jit3A_612, %eq3A : i32
      %jit3A_614 = arith.constant 1 : i32
      %select_n3A_615 = arith.select %eq3A_613, %jit3A_614, %jit3A_612 : i32
      %rem3A_616 = arith.remsi %add3A_595, %select_n3A_615 : i32
      %ne3A_617 = arith.constant 0 : i32
      %ne3A_618 = arith.cmpi ne, %rem3A_616, %ne3A_617 : i32
      %lt3A = arith.constant 0 : i32
      %lt3A_619 = arith.cmpi slt, %rem3A_616, %lt3A : i32
      %lt3A_620 = arith.constant 0 : i32
      %lt3A_621 = arith.cmpi slt, %select_n3A_615, %lt3A_620 : i32
      %ne3A_622 = arith.xori %lt3A_619, %lt3A_621 : i1
      %and3A_623 = arith.andi %ne3A_622, %ne3A_618 : i1
      %add3A_624 = arith.addi %rem3A_616, %select_n3A_615 : i32
      %select_n3A_625 = arith.select %and3A_623, %add3A_624, %rem3A_616 : i32
      %mul3A_626 = arith.constant 4096 : i32
      %mul3A_627 = arith.muli %select_n3A, %mul3A_626 : i32
      %add3A_628 = arith.addi %mul3A_627, %mul3A_2 : i32
      %mul3A_629 = arith.constant 64 : i32
      %mul3A_630 = arith.muli %select_n3A_625, %mul3A_629 : i32
      %add3A_631 = arith.addi %add3A_628, %mul3A_630 : i32
      %dma_start3A_632 = arith.constant 0 : i32
      %dma_start3A_633 = arith.constant 0 : i32
      %dma_start3A_634 = arith.constant 0 : i32
      %dma_start3A_635 = tpu.memref_slice %arg6[%dma_start3A_632, %dma_start3A_633, %dma_start3A_634] : memref<10x64x128xf32, #tpu.memory_space<vmem>> -> memref<1x64x128xf32, #tpu.memory_space<vmem>>
      %dma_start3A_636 = tpu.memref_squeeze %dma_start3A_635 : memref<1x64x128xf32, #tpu.memory_space<vmem>> -> memref<64x128xf32, #tpu.memory_space<vmem>>
      %dma_start3A_637 = arith.constant 0 : i32
      %dma_start3A_638 = tpu.memref_slice %arg4[%add3A_631, %dma_start3A_637] : memref<204800x128xf32, #tpu.memory_space<hbm>> -> memref<64x128xf32, #tpu.memory_space<hbm>>
      %dma_start3A_639 = arith.constant 0 : i32
      %dma_start3A_640 = tpu.memref_slice %arg4[%add3A_631, %dma_start3A_639] : memref<204800x128xf32, #tpu.memory_space<hbm>> -> memref<64x128xf32, #tpu.memory_space<hbm>>
      %dma_start3A_641 = arith.constant 0 : i32
      %dma_start3A_642 = arith.constant 0 : i32
      %dma_start3A_643 = tpu.memref_slice %arg6[%dma_start3A_632, %dma_start3A_641, %dma_start3A_642] : memref<10x64x128xf32, #tpu.memory_space<vmem>> -> memref<1x64x128xf32, #tpu.memory_space<vmem>>
      %dma_start3A_644 = tpu.memref_squeeze %dma_start3A_643 : memref<1x64x128xf32, #tpu.memory_space<vmem>> -> memref<64x128xf32, #tpu.memory_space<vmem>>
      tpu.enqueue_dma source(%dma_start3A_644 : memref<64x128xf32, #tpu.memory_space<vmem>>) target(%dma_start3A_640 : memref<64x128xf32, #tpu.memory_space<hbm>>) target_semaphore(%arg17 : memref<!tpu.dma_semaphore, #tpu.memory_space<semaphore_mem>>)
      %dma_wait3A_645 = arith.constant 1 : i32
      %dma_wait3A_646 = arith.constant 0 : i32
      %dma_wait3A_647 = arith.constant 0 : i32
      %dma_wait3A_648 = tpu.memref_slice %arg6[%dma_wait3A_645, %dma_wait3A_646, %dma_wait3A_647] : memref<10x64x128xf32, #tpu.memory_space<vmem>> -> memref<1x64x128xf32, #tpu.memory_space<vmem>>
      %dma_wait3A_649 = tpu.memref_squeeze %dma_wait3A_648 : memref<1x64x128xf32, #tpu.memory_space<vmem>> -> memref<64x128xf32, #tpu.memory_space<vmem>>
      %dma_wait3A_650 = arith.constant 0 : i32
      %dma_wait3A_651 = arith.constant 0 : i32
      %dma_wait3A_652 = tpu.memref_slice %arg3[%dma_wait3A_650, %dma_wait3A_651] : memref<100000x128xf32, #tpu.memory_space<hbm>> -> memref<64x128xf32, #tpu.memory_space<hbm>>
      %dma_wait3A_653 = arith.constant 0 : i32
      %dma_wait3A_654 = arith.constant 0 : i32
      %dma_wait3A_655 = tpu.memref_slice %arg6[%dma_wait3A_645, %dma_wait3A_653, %dma_wait3A_654] : memref<10x64x128xf32, #tpu.memory_space<vmem>> -> memref<1x64x128xf32, #tpu.memory_space<vmem>>
      %dma_wait3A_656 = tpu.memref_squeeze %dma_wait3A_655 : memref<1x64x128xf32, #tpu.memory_space<vmem>> -> memref<64x128xf32, #tpu.memory_space<vmem>>
      %dma_wait3A_657 = arith.constant 0 : i32
      %dma_wait3A_658 = arith.constant 0 : i32
      %dma_wait3A_659 = tpu.memref_slice %arg3[%dma_wait3A_657, %dma_wait3A_658] : memref<100000x128xf32, #tpu.memory_space<hbm>> -> memref<64x128xf32, #tpu.memory_space<hbm>>
      tpu.wait_dma2 semaphore(%arg8 : memref<!tpu.dma_semaphore, #tpu.memory_space<semaphore_mem>>) src(%dma_wait3A_659 : memref<64x128xf32, #tpu.memory_space<hbm>>) dst(%dma_wait3A_656 : memref<64x128xf32, #tpu.memory_space<vmem>>)
      %add3A_660 = arith.constant 1 : i32
      %add3A_661 = arith.addi %mul3A_578, %add3A_660 : i32
      %jit3A_662 = arith.constant 2 : i32
      %div3A_663 = arith.divsi %add3A_661, %jit3A_662 : i32
      %sign3A_664 = arith.constant 0 : i32
      %sign3A_665 = arith.cmpi sgt, %add3A_661, %sign3A_664 : i32
      %sign3A_666 = arith.extui %sign3A_665 : i1 to i32
      %sign3A_667 = arith.constant 0 : i32
      %sign3A_668 = arith.cmpi slt, %add3A_661, %sign3A_667 : i32
      %sign3A_669 = arith.extui %sign3A_668 : i1 to i32
      %sign3A_670 = arith.subi %sign3A_666, %sign3A_669 : i32
      %sign3A_671 = arith.constant 0 : i32
      %sign3A_672 = arith.cmpi sgt, %jit3A_662, %sign3A_671 : i32
      %sign3A_673 = arith.extui %sign3A_672 : i1 to i32
      %sign3A_674 = arith.constant 0 : i32
      %sign3A_675 = arith.cmpi slt, %jit3A_662, %sign3A_674 : i32
      %sign3A_676 = arith.extui %sign3A_675 : i1 to i32
      %sign3A_677 = arith.subi %sign3A_673, %sign3A_676 : i32
      %ne3A_678 = arith.cmpi ne, %sign3A_670, %sign3A_677 : i32
      %rem3A_679 = arith.remsi %add3A_661, %jit3A_662 : i32
      %ne3A_680 = arith.constant 0 : i32
      %ne3A_681 = arith.cmpi ne, %rem3A_679, %ne3A_680 : i32
      %and3A_682 = arith.andi %ne3A_678, %ne3A_681 : i1
      %sub3A_683 = arith.constant 1 : i32
      %sub3A_684 = arith.subi %div3A_663, %sub3A_683 : i32
      %select_n3A_685 = arith.select %and3A_682, %sub3A_684, %div3A_663 : i32
      %jit3A_686 = arith.constant 2 : i32
      %eq3A_687 = arith.constant 0 : i32
      %eq3A_688 = arith.cmpi eq, %jit3A_686, %eq3A_687 : i32
      %jit3A_689 = arith.constant 1 : i32
      %select_n3A_690 = arith.select %eq3A_688, %jit3A_689, %jit3A_686 : i32
      %rem3A_691 = arith.remsi %add3A_661, %select_n3A_690 : i32
      %ne3A_692 = arith.constant 0 : i32
      %ne3A_693 = arith.cmpi ne, %rem3A_691, %ne3A_692 : i32
      %lt3A_694 = arith.constant 0 : i32
      %lt3A_695 = arith.cmpi slt, %rem3A_691, %lt3A_694 : i32
      %lt3A_696 = arith.constant 0 : i32
      %lt3A_697 = arith.cmpi slt, %select_n3A_690, %lt3A_696 : i32
      %ne3A_698 = arith.xori %lt3A_695, %lt3A_697 : i1
      %and3A_699 = arith.andi %ne3A_698, %ne3A_693 : i1
      %add3A_700 = arith.addi %rem3A_691, %select_n3A_690 : i32
      %select_n3A_701 = arith.select %and3A_699, %add3A_700, %rem3A_691 : i32
      %mul3A_702 = arith.constant 4096 : i32
      %mul3A_703 = arith.muli %select_n3A_685, %mul3A_702 : i32
      %add3A_704 = arith.addi %mul3A_703, %mul3A_2 : i32
      %mul3A_705 = arith.constant 64 : i32
      %mul3A_706 = arith.muli %select_n3A_701, %mul3A_705 : i32
      %add3A_707 = arith.addi %add3A_704, %mul3A_706 : i32
      %dma_start3A_708 = arith.constant 1 : i32
      %dma_start3A_709 = arith.constant 0 : i32
      %dma_start3A_710 = arith.constant 0 : i32
      %dma_start3A_711 = tpu.memref_slice %arg6[%dma_start3A_708, %dma_start3A_709, %dma_start3A_710] : memref<10x64x128xf32, #tpu.memory_space<vmem>> -> memref<1x64x128xf32, #tpu.memory_space<vmem>>
      %dma_start3A_712 = tpu.memref_squeeze %dma_start3A_711 : memref<1x64x128xf32, #tpu.memory_space<vmem>> -> memref<64x128xf32, #tpu.memory_space<vmem>>
      %dma_start3A_713 = arith.constant 0 : i32
      %dma_start3A_714 = tpu.memref_slice %arg4[%add3A_707, %dma_start3A_713] : memref<204800x128xf32, #tpu.memory_space<hbm>> -> memref<64x128xf32, #tpu.memory_space<hbm>>
      %dma_start3A_715 = arith.constant 0 : i32
      %dma_start3A_716 = tpu.memref_slice %arg4[%add3A_707, %dma_start3A_715] : memref<204800x128xf32, #tpu.memory_space<hbm>> -> memref<64x128xf32, #tpu.memory_space<hbm>>
      %dma_start3A_717 = arith.constant 0 : i32
      %dma_start3A_718 = arith.constant 0 : i32
      %dma_start3A_719 = tpu.memref_slice %arg6[%dma_start3A_708, %dma_start3A_717, %dma_start3A_718] : memref<10x64x128xf32, #tpu.memory_space<vmem>> -> memref<1x64x128xf32, #tpu.memory_space<vmem>>
      %dma_start3A_720 = tpu.memref_squeeze %dma_start3A_719 : memref<1x64x128xf32, #tpu.memory_space<vmem>> -> memref<64x128xf32, #tpu.memory_space<vmem>>
      tpu.enqueue_dma source(%dma_start3A_720 : memref<64x128xf32, #tpu.memory_space<vmem>>) target(%dma_start3A_716 : memref<64x128xf32, #tpu.memory_space<hbm>>) target_semaphore(%arg18 : memref<!tpu.dma_semaphore, #tpu.memory_space<semaphore_mem>>)
      %dma_wait3A_721 = arith.constant 2 : i32
      %dma_wait3A_722 = arith.constant 0 : i32
      %dma_wait3A_723 = arith.constant 0 : i32
      %dma_wait3A_724 = tpu.memref_slice %arg6[%dma_wait3A_721, %dma_wait3A_722, %dma_wait3A_723] : memref<10x64x128xf32, #tpu.memory_space<vmem>> -> memref<1x64x128xf32, #tpu.memory_space<vmem>>
      %dma_wait3A_725 = tpu.memref_squeeze %dma_wait3A_724 : memref<1x64x128xf32, #tpu.memory_space<vmem>> -> memref<64x128xf32, #tpu.memory_space<vmem>>
      %dma_wait3A_726 = arith.constant 0 : i32
      %dma_wait3A_727 = arith.constant 0 : i32
      %dma_wait3A_728 = tpu.memref_slice %arg3[%dma_wait3A_726, %dma_wait3A_727] : memref<100000x128xf32, #tpu.memory_space<hbm>> -> memref<64x128xf32, #tpu.memory_space<hbm>>
      %dma_wait3A_729 = arith.constant 0 : i32
      %dma_wait3A_730 = arith.constant 0 : i32
      %dma_wait3A_731 = tpu.memref_slice %arg6[%dma_wait3A_721, %dma_wait3A_729, %dma_wait3A_730] : memref<10x64x128xf32, #tpu.memory_space<vmem>> -> memref<1x64x128xf32, #tpu.memory_space<vmem>>
      %dma_wait3A_732 = tpu.memref_squeeze %dma_wait3A_731 : memref<1x64x128xf32, #tpu.memory_space<vmem>> -> memref<64x128xf32, #tpu.memory_space<vmem>>
      %dma_wait3A_733 = arith.constant 0 : i32
      %dma_wait3A_734 = arith.constant 0 : i32
      %dma_wait3A_735 = tpu.memref_slice %arg3[%dma_wait3A_733, %dma_wait3A_734] : memref<100000x128xf32, #tpu.memory_space<hbm>> -> memref<64x128xf32, #tpu.memory_space<hbm>>
      tpu.wait_dma2 semaphore(%arg9 : memref<!tpu.dma_semaphore, #tpu.memory_space<semaphore_mem>>) src(%dma_wait3A_735 : memref<64x128xf32, #tpu.memory_space<hbm>>) dst(%dma_wait3A_732 : memref<64x128xf32, #tpu.memory_space<vmem>>)
      %add3A_736 = arith.constant 2 : i32
      %add3A_737 = arith.addi %mul3A_578, %add3A_736 : i32
      %jit3A_738 = arith.constant 2 : i32
      %div3A_739 = arith.divsi %add3A_737, %jit3A_738 : i32
      %sign3A_740 = arith.constant 0 : i32
      %sign3A_741 = arith.cmpi sgt, %add3A_737, %sign3A_740 : i32
      %sign3A_742 = arith.extui %sign3A_741 : i1 to i32
      %sign3A_743 = arith.constant 0 : i32
      %sign3A_744 = arith.cmpi slt, %add3A_737, %sign3A_743 : i32
      %sign3A_745 = arith.extui %sign3A_744 : i1 to i32
      %sign3A_746 = arith.subi %sign3A_742, %sign3A_745 : i32
      %sign3A_747 = arith.constant 0 : i32
      %sign3A_748 = arith.cmpi sgt, %jit3A_738, %sign3A_747 : i32
      %sign3A_749 = arith.extui %sign3A_748 : i1 to i32
      %sign3A_750 = arith.constant 0 : i32
      %sign3A_751 = arith.cmpi slt, %jit3A_738, %sign3A_750 : i32
      %sign3A_752 = arith.extui %sign3A_751 : i1 to i32
      %sign3A_753 = arith.subi %sign3A_749, %sign3A_752 : i32
      %ne3A_754 = arith.cmpi ne, %sign3A_746, %sign3A_753 : i32
      %rem3A_755 = arith.remsi %add3A_737, %jit3A_738 : i32
      %ne3A_756 = arith.constant 0 : i32
      %ne3A_757 = arith.cmpi ne, %rem3A_755, %ne3A_756 : i32
      %and3A_758 = arith.andi %ne3A_754, %ne3A_757 : i1
      %sub3A_759 = arith.constant 1 : i32
      %sub3A_760 = arith.subi %div3A_739, %sub3A_759 : i32
      %select_n3A_761 = arith.select %and3A_758, %sub3A_760, %div3A_739 : i32
      %jit3A_762 = arith.constant 2 : i32
      %eq3A_763 = arith.constant 0 : i32
      %eq3A_764 = arith.cmpi eq, %jit3A_762, %eq3A_763 : i32
      %jit3A_765 = arith.constant 1 : i32
      %select_n3A_766 = arith.select %eq3A_764, %jit3A_765, %jit3A_762 : i32
      %rem3A_767 = arith.remsi %add3A_737, %select_n3A_766 : i32
      %ne3A_768 = arith.constant 0 : i32
      %ne3A_769 = arith.cmpi ne, %rem3A_767, %ne3A_768 : i32
      %lt3A_770 = arith.constant 0 : i32
      %lt3A_771 = arith.cmpi slt, %rem3A_767, %lt3A_770 : i32
      %lt3A_772 = arith.constant 0 : i32
      %lt3A_773 = arith.cmpi slt, %select_n3A_766, %lt3A_772 : i32
      %ne3A_774 = arith.xori %lt3A_771, %lt3A_773 : i1
      %and3A_775 = arith.andi %ne3A_774, %ne3A_769 : i1
      %add3A_776 = arith.addi %rem3A_767, %select_n3A_766 : i32
      %select_n3A_777 = arith.select %and3A_775, %add3A_776, %rem3A_767 : i32
      %mul3A_778 = arith.constant 4096 : i32
      %mul3A_779 = arith.muli %select_n3A_761, %mul3A_778 : i32
      %add3A_780 = arith.addi %mul3A_779, %mul3A_2 : i32
      %mul3A_781 = arith.constant 64 : i32
      %mul3A_782 = arith.muli %select_n3A_777, %mul3A_781 : i32
      %add3A_783 = arith.addi %add3A_780, %mul3A_782 : i32
      %dma_start3A_784 = arith.constant 2 : i32
      %dma_start3A_785 = arith.constant 0 : i32
      %dma_start3A_786 = arith.constant 0 : i32
      %dma_start3A_787 = tpu.memref_slice %arg6[%dma_start3A_784, %dma_start3A_785, %dma_start3A_786] : memref<10x64x128xf32, #tpu.memory_space<vmem>> -> memref<1x64x128xf32, #tpu.memory_space<vmem>>
      %dma_start3A_788 = tpu.memref_squeeze %dma_start3A_787 : memref<1x64x128xf32, #tpu.memory_space<vmem>> -> memref<64x128xf32, #tpu.memory_space<vmem>>
      %dma_start3A_789 = arith.constant 0 : i32
      %dma_start3A_790 = tpu.memref_slice %arg4[%add3A_783, %dma_start3A_789] : memref<204800x128xf32, #tpu.memory_space<hbm>> -> memref<64x128xf32, #tpu.memory_space<hbm>>
      %dma_start3A_791 = arith.constant 0 : i32
      %dma_start3A_792 = tpu.memref_slice %arg4[%add3A_783, %dma_start3A_791] : memref<204800x128xf32, #tpu.memory_space<hbm>> -> memref<64x128xf32, #tpu.memory_space<hbm>>
      %dma_start3A_793 = arith.constant 0 : i32
      %dma_start3A_794 = arith.constant 0 : i32
      %dma_start3A_795 = tpu.memref_slice %arg6[%dma_start3A_784, %dma_start3A_793, %dma_start3A_794] : memref<10x64x128xf32, #tpu.memory_space<vmem>> -> memref<1x64x128xf32, #tpu.memory_space<vmem>>
      %dma_start3A_796 = tpu.memref_squeeze %dma_start3A_795 : memref<1x64x128xf32, #tpu.memory_space<vmem>> -> memref<64x128xf32, #tpu.memory_space<vmem>>
      tpu.enqueue_dma source(%dma_start3A_796 : memref<64x128xf32, #tpu.memory_space<vmem>>) target(%dma_start3A_792 : memref<64x128xf32, #tpu.memory_space<hbm>>) target_semaphore(%arg19 : memref<!tpu.dma_semaphore, #tpu.memory_space<semaphore_mem>>)
      %dma_wait3A_797 = arith.constant 3 : i32
      %dma_wait3A_798 = arith.constant 0 : i32
      %dma_wait3A_799 = arith.constant 0 : i32
      %dma_wait3A_800 = tpu.memref_slice %arg6[%dma_wait3A_797, %dma_wait3A_798, %dma_wait3A_799] : memref<10x64x128xf32, #tpu.memory_space<vmem>> -> memref<1x64x128xf32, #tpu.memory_space<vmem>>
      %dma_wait3A_801 = tpu.memref_squeeze %dma_wait3A_800 : memref<1x64x128xf32, #tpu.memory_space<vmem>> -> memref<64x128xf32, #tpu.memory_space<vmem>>
      %dma_wait3A_802 = arith.constant 0 : i32
      %dma_wait3A_803 = arith.constant 0 : i32
      %dma_wait3A_804 = tpu.memref_slice %arg3[%dma_wait3A_802, %dma_wait3A_803] : memref<100000x128xf32, #tpu.memory_space<hbm>> -> memref<64x128xf32, #tpu.memory_space<hbm>>
      %dma_wait3A_805 = arith.constant 0 : i32
      %dma_wait3A_806 = arith.constant 0 : i32
      %dma_wait3A_807 = tpu.memref_slice %arg6[%dma_wait3A_797, %dma_wait3A_805, %dma_wait3A_806] : memref<10x64x128xf32, #tpu.memory_space<vmem>> -> memref<1x64x128xf32, #tpu.memory_space<vmem>>
      %dma_wait3A_808 = tpu.memref_squeeze %dma_wait3A_807 : memref<1x64x128xf32, #tpu.memory_space<vmem>> -> memref<64x128xf32, #tpu.memory_space<vmem>>
      %dma_wait3A_809 = arith.constant 0 : i32
      %dma_wait3A_810 = arith.constant 0 : i32
      %dma_wait3A_811 = tpu.memref_slice %arg3[%dma_wait3A_809, %dma_wait3A_810] : memref<100000x128xf32, #tpu.memory_space<hbm>> -> memref<64x128xf32, #tpu.memory_space<hbm>>
      tpu.wait_dma2 semaphore(%arg10 : memref<!tpu.dma_semaphore, #tpu.memory_space<semaphore_mem>>) src(%dma_wait3A_811 : memref<64x128xf32, #tpu.memory_space<hbm>>) dst(%dma_wait3A_808 : memref<64x128xf32, #tpu.memory_space<vmem>>)
      %add3A_812 = arith.constant 3 : i32
      %add3A_813 = arith.addi %mul3A_578, %add3A_812 : i32
      %jit3A_814 = arith.constant 2 : i32
      %div3A_815 = arith.divsi %add3A_813, %jit3A_814 : i32
      %sign3A_816 = arith.constant 0 : i32
      %sign3A_817 = arith.cmpi sgt, %add3A_813, %sign3A_816 : i32
      %sign3A_818 = arith.extui %sign3A_817 : i1 to i32
      %sign3A_819 = arith.constant 0 : i32
      %sign3A_820 = arith.cmpi slt, %add3A_813, %sign3A_819 : i32
      %sign3A_821 = arith.extui %sign3A_820 : i1 to i32
      %sign3A_822 = arith.subi %sign3A_818, %sign3A_821 : i32
      %sign3A_823 = arith.constant 0 : i32
      %sign3A_824 = arith.cmpi sgt, %jit3A_814, %sign3A_823 : i32
      %sign3A_825 = arith.extui %sign3A_824 : i1 to i32
      %sign3A_826 = arith.constant 0 : i32
      %sign3A_827 = arith.cmpi slt, %jit3A_814, %sign3A_826 : i32
      %sign3A_828 = arith.extui %sign3A_827 : i1 to i32
      %sign3A_829 = arith.subi %sign3A_825, %sign3A_828 : i32
      %ne3A_830 = arith.cmpi ne, %sign3A_822, %sign3A_829 : i32
      %rem3A_831 = arith.remsi %add3A_813, %jit3A_814 : i32
      %ne3A_832 = arith.constant 0 : i32
      %ne3A_833 = arith.cmpi ne, %rem3A_831, %ne3A_832 : i32
      %and3A_834 = arith.andi %ne3A_830, %ne3A_833 : i1
      %sub3A_835 = arith.constant 1 : i32
      %sub3A_836 = arith.subi %div3A_815, %sub3A_835 : i32
      %select_n3A_837 = arith.select %and3A_834, %sub3A_836, %div3A_815 : i32
      %jit3A_838 = arith.constant 2 : i32
      %eq3A_839 = arith.constant 0 : i32
      %eq3A_840 = arith.cmpi eq, %jit3A_838, %eq3A_839 : i32
      %jit3A_841 = arith.constant 1 : i32
      %select_n3A_842 = arith.select %eq3A_840, %jit3A_841, %jit3A_838 : i32
      %rem3A_843 = arith.remsi %add3A_813, %select_n3A_842 : i32
      %ne3A_844 = arith.constant 0 : i32
      %ne3A_845 = arith.cmpi ne, %rem3A_843, %ne3A_844 : i32
      %lt3A_846 = arith.constant 0 : i32
      %lt3A_847 = arith.cmpi slt, %rem3A_843, %lt3A_846 : i32
      %lt3A_848 = arith.constant 0 : i32
      %lt3A_849 = arith.cmpi slt, %select_n3A_842, %lt3A_848 : i32
      %ne3A_850 = arith.xori %lt3A_847, %lt3A_849 : i1
      %and3A_851 = arith.andi %ne3A_850, %ne3A_845 : i1
      %add3A_852 = arith.addi %rem3A_843, %select_n3A_842 : i32
      %select_n3A_853 = arith.select %and3A_851, %add3A_852, %rem3A_843 : i32
      %mul3A_854 = arith.constant 4096 : i32
      %mul3A_855 = arith.muli %select_n3A_837, %mul3A_854 : i32
      %add3A_856 = arith.addi %mul3A_855, %mul3A_2 : i32
      %mul3A_857 = arith.constant 64 : i32
      %mul3A_858 = arith.muli %select_n3A_853, %mul3A_857 : i32
      %add3A_859 = arith.addi %add3A_856, %mul3A_858 : i32
      %dma_start3A_860 = arith.constant 3 : i32
      %dma_start3A_861 = arith.constant 0 : i32
      %dma_start3A_862 = arith.constant 0 : i32
      %dma_start3A_863 = tpu.memref_slice %arg6[%dma_start3A_860, %dma_start3A_861, %dma_start3A_862] : memref<10x64x128xf32, #tpu.memory_space<vmem>> -> memref<1x64x128xf32, #tpu.memory_space<vmem>>
      %dma_start3A_864 = tpu.memref_squeeze %dma_start3A_863 : memref<1x64x128xf32, #tpu.memory_space<vmem>> -> memref<64x128xf32, #tpu.memory_space<vmem>>
      %dma_start3A_865 = arith.constant 0 : i32
      %dma_start3A_866 = tpu.memref_slice %arg4[%add3A_859, %dma_start3A_865] : memref<204800x128xf32, #tpu.memory_space<hbm>> -> memref<64x128xf32, #tpu.memory_space<hbm>>
      %dma_start3A_867 = arith.constant 0 : i32
      %dma_start3A_868 = tpu.memref_slice %arg4[%add3A_859, %dma_start3A_867] : memref<204800x128xf32, #tpu.memory_space<hbm>> -> memref<64x128xf32, #tpu.memory_space<hbm>>
      %dma_start3A_869 = arith.constant 0 : i32
      %dma_start3A_870 = arith.constant 0 : i32
      %dma_start3A_871 = tpu.memref_slice %arg6[%dma_start3A_860, %dma_start3A_869, %dma_start3A_870] : memref<10x64x128xf32, #tpu.memory_space<vmem>> -> memref<1x64x128xf32, #tpu.memory_space<vmem>>
      %dma_start3A_872 = tpu.memref_squeeze %dma_start3A_871 : memref<1x64x128xf32, #tpu.memory_space<vmem>> -> memref<64x128xf32, #tpu.memory_space<vmem>>
      tpu.enqueue_dma source(%dma_start3A_872 : memref<64x128xf32, #tpu.memory_space<vmem>>) target(%dma_start3A_868 : memref<64x128xf32, #tpu.memory_space<hbm>>) target_semaphore(%arg20 : memref<!tpu.dma_semaphore, #tpu.memory_space<semaphore_mem>>)
      %dma_wait3A_873 = arith.constant 4 : i32
      %dma_wait3A_874 = arith.constant 0 : i32
      %dma_wait3A_875 = arith.constant 0 : i32
      %dma_wait3A_876 = tpu.memref_slice %arg6[%dma_wait3A_873, %dma_wait3A_874, %dma_wait3A_875] : memref<10x64x128xf32, #tpu.memory_space<vmem>> -> memref<1x64x128xf32, #tpu.memory_space<vmem>>
      %dma_wait3A_877 = tpu.memref_squeeze %dma_wait3A_876 : memref<1x64x128xf32, #tpu.memory_space<vmem>> -> memref<64x128xf32, #tpu.memory_space<vmem>>
      %dma_wait3A_878 = arith.constant 0 : i32
      %dma_wait3A_879 = arith.constant 0 : i32
      %dma_wait3A_880 = tpu.memref_slice %arg3[%dma_wait3A_878, %dma_wait3A_879] : memref<100000x128xf32, #tpu.memory_space<hbm>> -> memref<64x128xf32, #tpu.memory_space<hbm>>
      %dma_wait3A_881 = arith.constant 0 : i32
      %dma_wait3A_882 = arith.constant 0 : i32
      %dma_wait3A_883 = tpu.memref_slice %arg6[%dma_wait3A_873, %dma_wait3A_881, %dma_wait3A_882] : memref<10x64x128xf32, #tpu.memory_space<vmem>> -> memref<1x64x128xf32, #tpu.memory_space<vmem>>
      %dma_wait3A_884 = tpu.memref_squeeze %dma_wait3A_883 : memref<1x64x128xf32, #tpu.memory_space<vmem>> -> memref<64x128xf32, #tpu.memory_space<vmem>>
      %dma_wait3A_885 = arith.constant 0 : i32
      %dma_wait3A_886 = arith.constant 0 : i32
      %dma_wait3A_887 = tpu.memref_slice %arg3[%dma_wait3A_885, %dma_wait3A_886] : memref<100000x128xf32, #tpu.memory_space<hbm>> -> memref<64x128xf32, #tpu.memory_space<hbm>>
      tpu.wait_dma2 semaphore(%arg11 : memref<!tpu.dma_semaphore, #tpu.memory_space<semaphore_mem>>) src(%dma_wait3A_887 : memref<64x128xf32, #tpu.memory_space<hbm>>) dst(%dma_wait3A_884 : memref<64x128xf32, #tpu.memory_space<vmem>>)
      %add3A_888 = arith.constant 4 : i32
      %add3A_889 = arith.addi %mul3A_578, %add3A_888 : i32
      %jit3A_890 = arith.constant 2 : i32
      %div3A_891 = arith.divsi %add3A_889, %jit3A_890 : i32
      %sign3A_892 = arith.constant 0 : i32
      %sign3A_893 = arith.cmpi sgt, %add3A_889, %sign3A_892 : i32
      %sign3A_894 = arith.extui %sign3A_893 : i1 to i32
      %sign3A_895 = arith.constant 0 : i32
      %sign3A_896 = arith.cmpi slt, %add3A_889, %sign3A_895 : i32
      %sign3A_897 = arith.extui %sign3A_896 : i1 to i32
      %sign3A_898 = arith.subi %sign3A_894, %sign3A_897 : i32
      %sign3A_899 = arith.constant 0 : i32
      %sign3A_900 = arith.cmpi sgt, %jit3A_890, %sign3A_899 : i32
      %sign3A_901 = arith.extui %sign3A_900 : i1 to i32
      %sign3A_902 = arith.constant 0 : i32
      %sign3A_903 = arith.cmpi slt, %jit3A_890, %sign3A_902 : i32
      %sign3A_904 = arith.extui %sign3A_903 : i1 to i32
      %sign3A_905 = arith.subi %sign3A_901, %sign3A_904 : i32
      %ne3A_906 = arith.cmpi ne, %sign3A_898, %sign3A_905 : i32
      %rem3A_907 = arith.remsi %add3A_889, %jit3A_890 : i32
      %ne3A_908 = arith.constant 0 : i32
      %ne3A_909 = arith.cmpi ne, %rem3A_907, %ne3A_908 : i32
      %and3A_910 = arith.andi %ne3A_906, %ne3A_909 : i1
      %sub3A_911 = arith.constant 1 : i32
      %sub3A_912 = arith.subi %div3A_891, %sub3A_911 : i32
      %select_n3A_913 = arith.select %and3A_910, %sub3A_912, %div3A_891 : i32
      %jit3A_914 = arith.constant 2 : i32
      %eq3A_915 = arith.constant 0 : i32
      %eq3A_916 = arith.cmpi eq, %jit3A_914, %eq3A_915 : i32
      %jit3A_917 = arith.constant 1 : i32
      %select_n3A_918 = arith.select %eq3A_916, %jit3A_917, %jit3A_914 : i32
      %rem3A_919 = arith.remsi %add3A_889, %select_n3A_918 : i32
      %ne3A_920 = arith.constant 0 : i32
      %ne3A_921 = arith.cmpi ne, %rem3A_919, %ne3A_920 : i32
      %lt3A_922 = arith.constant 0 : i32
      %lt3A_923 = arith.cmpi slt, %rem3A_919, %lt3A_922 : i32
      %lt3A_924 = arith.constant 0 : i32
      %lt3A_925 = arith.cmpi slt, %select_n3A_918, %lt3A_924 : i32
      %ne3A_926 = arith.xori %lt3A_923, %lt3A_925 : i1
      %and3A_927 = arith.andi %ne3A_926, %ne3A_921 : i1
      %add3A_928 = arith.addi %rem3A_919, %select_n3A_918 : i32
      %select_n3A_929 = arith.select %and3A_927, %add3A_928, %rem3A_919 : i32
      %mul3A_930 = arith.constant 4096 : i32
      %mul3A_931 = arith.muli %select_n3A_913, %mul3A_930 : i32
      %add3A_932 = arith.addi %mul3A_931, %mul3A_2 : i32
      %mul3A_933 = arith.constant 64 : i32
      %mul3A_934 = arith.muli %select_n3A_929, %mul3A_933 : i32
      %add3A_935 = arith.addi %add3A_932, %mul3A_934 : i32
      %dma_start3A_936 = arith.constant 4 : i32
      %dma_start3A_937 = arith.constant 0 : i32
      %dma_start3A_938 = arith.constant 0 : i32
      %dma_start3A_939 = tpu.memref_slice %arg6[%dma_start3A_936, %dma_start3A_937, %dma_start3A_938] : memref<10x64x128xf32, #tpu.memory_space<vmem>> -> memref<1x64x128xf32, #tpu.memory_space<vmem>>
      %dma_start3A_940 = tpu.memref_squeeze %dma_start3A_939 : memref<1x64x128xf32, #tpu.memory_space<vmem>> -> memref<64x128xf32, #tpu.memory_space<vmem>>
      %dma_start3A_941 = arith.constant 0 : i32
      %dma_start3A_942 = tpu.memref_slice %arg4[%add3A_935, %dma_start3A_941] : memref<204800x128xf32, #tpu.memory_space<hbm>> -> memref<64x128xf32, #tpu.memory_space<hbm>>
      %dma_start3A_943 = arith.constant 0 : i32
      %dma_start3A_944 = tpu.memref_slice %arg4[%add3A_935, %dma_start3A_943] : memref<204800x128xf32, #tpu.memory_space<hbm>> -> memref<64x128xf32, #tpu.memory_space<hbm>>
      %dma_start3A_945 = arith.constant 0 : i32
      %dma_start3A_946 = arith.constant 0 : i32
      %dma_start3A_947 = tpu.memref_slice %arg6[%dma_start3A_936, %dma_start3A_945, %dma_start3A_946] : memref<10x64x128xf32, #tpu.memory_space<vmem>> -> memref<1x64x128xf32, #tpu.memory_space<vmem>>
      %dma_start3A_948 = tpu.memref_squeeze %dma_start3A_947 : memref<1x64x128xf32, #tpu.memory_space<vmem>> -> memref<64x128xf32, #tpu.memory_space<vmem>>
      tpu.enqueue_dma source(%dma_start3A_948 : memref<64x128xf32, #tpu.memory_space<vmem>>) target(%dma_start3A_944 : memref<64x128xf32, #tpu.memory_space<hbm>>) target_semaphore(%arg21 : memref<!tpu.dma_semaphore, #tpu.memory_space<semaphore_mem>>)
      %dma_wait3A_949 = arith.constant 5 : i32
      %dma_wait3A_950 = arith.constant 0 : i32
      %dma_wait3A_951 = arith.constant 0 : i32
      %dma_wait3A_952 = tpu.memref_slice %arg6[%dma_wait3A_949, %dma_wait3A_950, %dma_wait3A_951] : memref<10x64x128xf32, #tpu.memory_space<vmem>> -> memref<1x64x128xf32, #tpu.memory_space<vmem>>
      %dma_wait3A_953 = tpu.memref_squeeze %dma_wait3A_952 : memref<1x64x128xf32, #tpu.memory_space<vmem>> -> memref<64x128xf32, #tpu.memory_space<vmem>>
      %dma_wait3A_954 = arith.constant 0 : i32
      %dma_wait3A_955 = arith.constant 0 : i32
      %dma_wait3A_956 = tpu.memref_slice %arg3[%dma_wait3A_954, %dma_wait3A_955] : memref<100000x128xf32, #tpu.memory_space<hbm>> -> memref<64x128xf32, #tpu.memory_space<hbm>>
      %dma_wait3A_957 = arith.constant 0 : i32
      %dma_wait3A_958 = arith.constant 0 : i32
      %dma_wait3A_959 = tpu.memref_slice %arg6[%dma_wait3A_949, %dma_wait3A_957, %dma_wait3A_958] : memref<10x64x128xf32, #tpu.memory_space<vmem>> -> memref<1x64x128xf32, #tpu.memory_space<vmem>>
      %dma_wait3A_960 = tpu.memref_squeeze %dma_wait3A_959 : memref<1x64x128xf32, #tpu.memory_space<vmem>> -> memref<64x128xf32, #tpu.memory_space<vmem>>
      %dma_wait3A_961 = arith.constant 0 : i32
      %dma_wait3A_962 = arith.constant 0 : i32
      %dma_wait3A_963 = tpu.memref_slice %arg3[%dma_wait3A_961, %dma_wait3A_962] : memref<100000x128xf32, #tpu.memory_space<hbm>> -> memref<64x128xf32, #tpu.memory_space<hbm>>
      tpu.wait_dma2 semaphore(%arg12 : memref<!tpu.dma_semaphore, #tpu.memory_space<semaphore_mem>>) src(%dma_wait3A_963 : memref<64x128xf32, #tpu.memory_space<hbm>>) dst(%dma_wait3A_960 : memref<64x128xf32, #tpu.memory_space<vmem>>)
      %add3A_964 = arith.constant 5 : i32
      %add3A_965 = arith.addi %mul3A_578, %add3A_964 : i32
      %jit3A_966 = arith.constant 2 : i32
      %div3A_967 = arith.divsi %add3A_965, %jit3A_966 : i32
      %sign3A_968 = arith.constant 0 : i32
      %sign3A_969 = arith.cmpi sgt, %add3A_965, %sign3A_968 : i32
      %sign3A_970 = arith.extui %sign3A_969 : i1 to i32
      %sign3A_971 = arith.constant 0 : i32
      %sign3A_972 = arith.cmpi slt, %add3A_965, %sign3A_971 : i32
      %sign3A_973 = arith.extui %sign3A_972 : i1 to i32
      %sign3A_974 = arith.subi %sign3A_970, %sign3A_973 : i32
      %sign3A_975 = arith.constant 0 : i32
      %sign3A_976 = arith.cmpi sgt, %jit3A_966, %sign3A_975 : i32
      %sign3A_977 = arith.extui %sign3A_976 : i1 to i32
      %sign3A_978 = arith.constant 0 : i32
      %sign3A_979 = arith.cmpi slt, %jit3A_966, %sign3A_978 : i32
      %sign3A_980 = arith.extui %sign3A_979 : i1 to i32
      %sign3A_981 = arith.subi %sign3A_977, %sign3A_980 : i32
      %ne3A_982 = arith.cmpi ne, %sign3A_974, %sign3A_981 : i32
      %rem3A_983 = arith.remsi %add3A_965, %jit3A_966 : i32
      %ne3A_984 = arith.constant 0 : i32
      %ne3A_985 = arith.cmpi ne, %rem3A_983, %ne3A_984 : i32
      %and3A_986 = arith.andi %ne3A_982, %ne3A_985 : i1
      %sub3A_987 = arith.constant 1 : i32
      %sub3A_988 = arith.subi %div3A_967, %sub3A_987 : i32
      %select_n3A_989 = arith.select %and3A_986, %sub3A_988, %div3A_967 : i32
      %jit3A_990 = arith.constant 2 : i32
      %eq3A_991 = arith.constant 0 : i32
      %eq3A_992 = arith.cmpi eq, %jit3A_990, %eq3A_991 : i32
      %jit3A_993 = arith.constant 1 : i32
      %select_n3A_994 = arith.select %eq3A_992, %jit3A_993, %jit3A_990 : i32
      %rem3A_995 = arith.remsi %add3A_965, %select_n3A_994 : i32
      %ne3A_996 = arith.constant 0 : i32
      %ne3A_997 = arith.cmpi ne, %rem3A_995, %ne3A_996 : i32
      %lt3A_998 = arith.constant 0 : i32
      %lt3A_999 = arith.cmpi slt, %rem3A_995, %lt3A_998 : i32
      %lt3A_1000 = arith.constant 0 : i32
      %lt3A_1001 = arith.cmpi slt, %select_n3A_994, %lt3A_1000 : i32
      %ne3A_1002 = arith.xori %lt3A_999, %lt3A_1001 : i1
      %and3A_1003 = arith.andi %ne3A_1002, %ne3A_997 : i1
      %add3A_1004 = arith.addi %rem3A_995, %select_n3A_994 : i32
      %select_n3A_1005 = arith.select %and3A_1003, %add3A_1004, %rem3A_995 : i32
      %mul3A_1006 = arith.constant 4096 : i32
      %mul3A_1007 = arith.muli %select_n3A_989, %mul3A_1006 : i32
      %add3A_1008 = arith.addi %mul3A_1007, %mul3A_2 : i32
      %mul3A_1009 = arith.constant 64 : i32
      %mul3A_1010 = arith.muli %select_n3A_1005, %mul3A_1009 : i32
      %add3A_1011 = arith.addi %add3A_1008, %mul3A_1010 : i32
      %dma_start3A_1012 = arith.constant 5 : i32
      %dma_start3A_1013 = arith.constant 0 : i32
      %dma_start3A_1014 = arith.constant 0 : i32
      %dma_start3A_1015 = tpu.memref_slice %arg6[%dma_start3A_1012, %dma_start3A_1013, %dma_start3A_1014] : memref<10x64x128xf32, #tpu.memory_space<vmem>> -> memref<1x64x128xf32, #tpu.memory_space<vmem>>
      %dma_start3A_1016 = tpu.memref_squeeze %dma_start3A_1015 : memref<1x64x128xf32, #tpu.memory_space<vmem>> -> memref<64x128xf32, #tpu.memory_space<vmem>>
      %dma_start3A_1017 = arith.constant 0 : i32
      %dma_start3A_1018 = tpu.memref_slice %arg4[%add3A_1011, %dma_start3A_1017] : memref<204800x128xf32, #tpu.memory_space<hbm>> -> memref<64x128xf32, #tpu.memory_space<hbm>>
      %dma_start3A_1019 = arith.constant 0 : i32
      %dma_start3A_1020 = tpu.memref_slice %arg4[%add3A_1011, %dma_start3A_1019] : memref<204800x128xf32, #tpu.memory_space<hbm>> -> memref<64x128xf32, #tpu.memory_space<hbm>>
      %dma_start3A_1021 = arith.constant 0 : i32
      %dma_start3A_1022 = arith.constant 0 : i32
      %dma_start3A_1023 = tpu.memref_slice %arg6[%dma_start3A_1012, %dma_start3A_1021, %dma_start3A_1022] : memref<10x64x128xf32, #tpu.memory_space<vmem>> -> memref<1x64x128xf32, #tpu.memory_space<vmem>>
      %dma_start3A_1024 = tpu.memref_squeeze %dma_start3A_1023 : memref<1x64x128xf32, #tpu.memory_space<vmem>> -> memref<64x128xf32, #tpu.memory_space<vmem>>
      tpu.enqueue_dma source(%dma_start3A_1024 : memref<64x128xf32, #tpu.memory_space<vmem>>) target(%dma_start3A_1020 : memref<64x128xf32, #tpu.memory_space<hbm>>) target_semaphore(%arg22 : memref<!tpu.dma_semaphore, #tpu.memory_space<semaphore_mem>>)
      %dma_wait3A_1025 = arith.constant 6 : i32
      %dma_wait3A_1026 = arith.constant 0 : i32
      %dma_wait3A_1027 = arith.constant 0 : i32
      %dma_wait3A_1028 = tpu.memref_slice %arg6[%dma_wait3A_1025, %dma_wait3A_1026, %dma_wait3A_1027] : memref<10x64x128xf32, #tpu.memory_space<vmem>> -> memref<1x64x128xf32, #tpu.memory_space<vmem>>
      %dma_wait3A_1029 = tpu.memref_squeeze %dma_wait3A_1028 : memref<1x64x128xf32, #tpu.memory_space<vmem>> -> memref<64x128xf32, #tpu.memory_space<vmem>>
      %dma_wait3A_1030 = arith.constant 0 : i32
      %dma_wait3A_1031 = arith.constant 0 : i32
      %dma_wait3A_1032 = tpu.memref_slice %arg3[%dma_wait3A_1030, %dma_wait3A_1031] : memref<100000x128xf32, #tpu.memory_space<hbm>> -> memref<64x128xf32, #tpu.memory_space<hbm>>
      %dma_wait3A_1033 = arith.constant 0 : i32
      %dma_wait3A_1034 = arith.constant 0 : i32
      %dma_wait3A_1035 = tpu.memref_slice %arg6[%dma_wait3A_1025, %dma_wait3A_1033, %dma_wait3A_1034] : memref<10x64x128xf32, #tpu.memory_space<vmem>> -> memref<1x64x128xf32, #tpu.memory_space<vmem>>
      %dma_wait3A_1036 = tpu.memref_squeeze %dma_wait3A_1035 : memref<1x64x128xf32, #tpu.memory_space<vmem>> -> memref<64x128xf32, #tpu.memory_space<vmem>>
      %dma_wait3A_1037 = arith.constant 0 : i32
      %dma_wait3A_1038 = arith.constant 0 : i32
      %dma_wait3A_1039 = tpu.memref_slice %arg3[%dma_wait3A_1037, %dma_wait3A_1038] : memref<100000x128xf32, #tpu.memory_space<hbm>> -> memref<64x128xf32, #tpu.memory_space<hbm>>
      tpu.wait_dma2 semaphore(%arg13 : memref<!tpu.dma_semaphore, #tpu.memory_space<semaphore_mem>>) src(%dma_wait3A_1039 : memref<64x128xf32, #tpu.memory_space<hbm>>) dst(%dma_wait3A_1036 : memref<64x128xf32, #tpu.memory_space<vmem>>)
      %add3A_1040 = arith.constant 6 : i32
      %add3A_1041 = arith.addi %mul3A_578, %add3A_1040 : i32
      %jit3A_1042 = arith.constant 2 : i32
      %div3A_1043 = arith.divsi %add3A_1041, %jit3A_1042 : i32
      %sign3A_1044 = arith.constant 0 : i32
      %sign3A_1045 = arith.cmpi sgt, %add3A_1041, %sign3A_1044 : i32
      %sign3A_1046 = arith.extui %sign3A_1045 : i1 to i32
      %sign3A_1047 = arith.constant 0 : i32
      %sign3A_1048 = arith.cmpi slt, %add3A_1041, %sign3A_1047 : i32
      %sign3A_1049 = arith.extui %sign3A_1048 : i1 to i32
      %sign3A_1050 = arith.subi %sign3A_1046, %sign3A_1049 : i32
      %sign3A_1051 = arith.constant 0 : i32
      %sign3A_1052 = arith.cmpi sgt, %jit3A_1042, %sign3A_1051 : i32
      %sign3A_1053 = arith.extui %sign3A_1052 : i1 to i32
      %sign3A_1054 = arith.constant 0 : i32
      %sign3A_1055 = arith.cmpi slt, %jit3A_1042, %sign3A_1054 : i32
      %sign3A_1056 = arith.extui %sign3A_1055 : i1 to i32
      %sign3A_1057 = arith.subi %sign3A_1053, %sign3A_1056 : i32
      %ne3A_1058 = arith.cmpi ne, %sign3A_1050, %sign3A_1057 : i32
      %rem3A_1059 = arith.remsi %add3A_1041, %jit3A_1042 : i32
      %ne3A_1060 = arith.constant 0 : i32
      %ne3A_1061 = arith.cmpi ne, %rem3A_1059, %ne3A_1060 : i32
      %and3A_1062 = arith.andi %ne3A_1058, %ne3A_1061 : i1
      %sub3A_1063 = arith.constant 1 : i32
      %sub3A_1064 = arith.subi %div3A_1043, %sub3A_1063 : i32
      %select_n3A_1065 = arith.select %and3A_1062, %sub3A_1064, %div3A_1043 : i32
      %jit3A_1066 = arith.constant 2 : i32
      %eq3A_1067 = arith.constant 0 : i32
      %eq3A_1068 = arith.cmpi eq, %jit3A_1066, %eq3A_1067 : i32
      %jit3A_1069 = arith.constant 1 : i32
      %select_n3A_1070 = arith.select %eq3A_1068, %jit3A_1069, %jit3A_1066 : i32
      %rem3A_1071 = arith.remsi %add3A_1041, %select_n3A_1070 : i32
      %ne3A_1072 = arith.constant 0 : i32
      %ne3A_1073 = arith.cmpi ne, %rem3A_1071, %ne3A_1072 : i32
      %lt3A_1074 = arith.constant 0 : i32
      %lt3A_1075 = arith.cmpi slt, %rem3A_1071, %lt3A_1074 : i32
      %lt3A_1076 = arith.constant 0 : i32
      %lt3A_1077 = arith.cmpi slt, %select_n3A_1070, %lt3A_1076 : i32
      %ne3A_1078 = arith.xori %lt3A_1075, %lt3A_1077 : i1
      %and3A_1079 = arith.andi %ne3A_1078, %ne3A_1073 : i1
      %add3A_1080 = arith.addi %rem3A_1071, %select_n3A_1070 : i32
      %select_n3A_1081 = arith.select %and3A_1079, %add3A_1080, %rem3A_1071 : i32
      %mul3A_1082 = arith.constant 4096 : i32
      %mul3A_1083 = arith.muli %select_n3A_1065, %mul3A_1082 : i32
      %add3A_1084 = arith.addi %mul3A_1083, %mul3A_2 : i32
      %mul3A_1085 = arith.constant 64 : i32
      %mul3A_1086 = arith.muli %select_n3A_1081, %mul3A_1085 : i32
      %add3A_1087 = arith.addi %add3A_1084, %mul3A_1086 : i32
      %dma_start3A_1088 = arith.constant 6 : i32
      %dma_start3A_1089 = arith.constant 0 : i32
      %dma_start3A_1090 = arith.constant 0 : i32
      %dma_start3A_1091 = tpu.memref_slice %arg6[%dma_start3A_1088, %dma_start3A_1089, %dma_start3A_1090] : memref<10x64x128xf32, #tpu.memory_space<vmem>> -> memref<1x64x128xf32, #tpu.memory_space<vmem>>
      %dma_start3A_1092 = tpu.memref_squeeze %dma_start3A_1091 : memref<1x64x128xf32, #tpu.memory_space<vmem>> -> memref<64x128xf32, #tpu.memory_space<vmem>>
      %dma_start3A_1093 = arith.constant 0 : i32
      %dma_start3A_1094 = tpu.memref_slice %arg4[%add3A_1087, %dma_start3A_1093] : memref<204800x128xf32, #tpu.memory_space<hbm>> -> memref<64x128xf32, #tpu.memory_space<hbm>>
      %dma_start3A_1095 = arith.constant 0 : i32
      %dma_start3A_1096 = tpu.memref_slice %arg4[%add3A_1087, %dma_start3A_1095] : memref<204800x128xf32, #tpu.memory_space<hbm>> -> memref<64x128xf32, #tpu.memory_space<hbm>>
      %dma_start3A_1097 = arith.constant 0 : i32
      %dma_start3A_1098 = arith.constant 0 : i32
      %dma_start3A_1099 = tpu.memref_slice %arg6[%dma_start3A_1088, %dma_start3A_1097, %dma_start3A_1098] : memref<10x64x128xf32, #tpu.memory_space<vmem>> -> memref<1x64x128xf32, #tpu.memory_space<vmem>>
      %dma_start3A_1100 = tpu.memref_squeeze %dma_start3A_1099 : memref<1x64x128xf32, #tpu.memory_space<vmem>> -> memref<64x128xf32, #tpu.memory_space<vmem>>
      tpu.enqueue_dma source(%dma_start3A_1100 : memref<64x128xf32, #tpu.memory_space<vmem>>) target(%dma_start3A_1096 : memref<64x128xf32, #tpu.memory_space<hbm>>) target_semaphore(%arg23 : memref<!tpu.dma_semaphore, #tpu.memory_space<semaphore_mem>>)
      %dma_wait3A_1101 = arith.constant 7 : i32
      %dma_wait3A_1102 = arith.constant 0 : i32
      %dma_wait3A_1103 = arith.constant 0 : i32
      %dma_wait3A_1104 = tpu.memref_slice %arg6[%dma_wait3A_1101, %dma_wait3A_1102, %dma_wait3A_1103] : memref<10x64x128xf32, #tpu.memory_space<vmem>> -> memref<1x64x128xf32, #tpu.memory_space<vmem>>
      %dma_wait3A_1105 = tpu.memref_squeeze %dma_wait3A_1104 : memref<1x64x128xf32, #tpu.memory_space<vmem>> -> memref<64x128xf32, #tpu.memory_space<vmem>>
      %dma_wait3A_1106 = arith.constant 0 : i32
      %dma_wait3A_1107 = arith.constant 0 : i32
      %dma_wait3A_1108 = tpu.memref_slice %arg3[%dma_wait3A_1106, %dma_wait3A_1107] : memref<100000x128xf32, #tpu.memory_space<hbm>> -> memref<64x128xf32, #tpu.memory_space<hbm>>
      %dma_wait3A_1109 = arith.constant 0 : i32
      %dma_wait3A_1110 = arith.constant 0 : i32
      %dma_wait3A_1111 = tpu.memref_slice %arg6[%dma_wait3A_1101, %dma_wait3A_1109, %dma_wait3A_1110] : memref<10x64x128xf32, #tpu.memory_space<vmem>> -> memref<1x64x128xf32, #tpu.memory_space<vmem>>
      %dma_wait3A_1112 = tpu.memref_squeeze %dma_wait3A_1111 : memref<1x64x128xf32, #tpu.memory_space<vmem>> -> memref<64x128xf32, #tpu.memory_space<vmem>>
      %dma_wait3A_1113 = arith.constant 0 : i32
      %dma_wait3A_1114 = arith.constant 0 : i32
      %dma_wait3A_1115 = tpu.memref_slice %arg3[%dma_wait3A_1113, %dma_wait3A_1114] : memref<100000x128xf32, #tpu.memory_space<hbm>> -> memref<64x128xf32, #tpu.memory_space<hbm>>
      tpu.wait_dma2 semaphore(%arg14 : memref<!tpu.dma_semaphore, #tpu.memory_space<semaphore_mem>>) src(%dma_wait3A_1115 : memref<64x128xf32, #tpu.memory_space<hbm>>) dst(%dma_wait3A_1112 : memref<64x128xf32, #tpu.memory_space<vmem>>)
      %add3A_1116 = arith.constant 7 : i32
      %add3A_1117 = arith.addi %mul3A_578, %add3A_1116 : i32
      %jit3A_1118 = arith.constant 2 : i32
      %div3A_1119 = arith.divsi %add3A_1117, %jit3A_1118 : i32
      %sign3A_1120 = arith.constant 0 : i32
      %sign3A_1121 = arith.cmpi sgt, %add3A_1117, %sign3A_1120 : i32
      %sign3A_1122 = arith.extui %sign3A_1121 : i1 to i32
      %sign3A_1123 = arith.constant 0 : i32
      %sign3A_1124 = arith.cmpi slt, %add3A_1117, %sign3A_1123 : i32
      %sign3A_1125 = arith.extui %sign3A_1124 : i1 to i32
      %sign3A_1126 = arith.subi %sign3A_1122, %sign3A_1125 : i32
      %sign3A_1127 = arith.constant 0 : i32
      %sign3A_1128 = arith.cmpi sgt, %jit3A_1118, %sign3A_1127 : i32
      %sign3A_1129 = arith.extui %sign3A_1128 : i1 to i32
      %sign3A_1130 = arith.constant 0 : i32
      %sign3A_1131 = arith.cmpi slt, %jit3A_1118, %sign3A_1130 : i32
      %sign3A_1132 = arith.extui %sign3A_1131 : i1 to i32
      %sign3A_1133 = arith.subi %sign3A_1129, %sign3A_1132 : i32
      %ne3A_1134 = arith.cmpi ne, %sign3A_1126, %sign3A_1133 : i32
      %rem3A_1135 = arith.remsi %add3A_1117, %jit3A_1118 : i32
      %ne3A_1136 = arith.constant 0 : i32
      %ne3A_1137 = arith.cmpi ne, %rem3A_1135, %ne3A_1136 : i32
      %and3A_1138 = arith.andi %ne3A_1134, %ne3A_1137 : i1
      %sub3A_1139 = arith.constant 1 : i32
      %sub3A_1140 = arith.subi %div3A_1119, %sub3A_1139 : i32
      %select_n3A_1141 = arith.select %and3A_1138, %sub3A_1140, %div3A_1119 : i32
      %jit3A_1142 = arith.constant 2 : i32
      %eq3A_1143 = arith.constant 0 : i32
      %eq3A_1144 = arith.cmpi eq, %jit3A_1142, %eq3A_1143 : i32
      %jit3A_1145 = arith.constant 1 : i32
      %select_n3A_1146 = arith.select %eq3A_1144, %jit3A_1145, %jit3A_1142 : i32
      %rem3A_1147 = arith.remsi %add3A_1117, %select_n3A_1146 : i32
      %ne3A_1148 = arith.constant 0 : i32
      %ne3A_1149 = arith.cmpi ne, %rem3A_1147, %ne3A_1148 : i32
      %lt3A_1150 = arith.constant 0 : i32
      %lt3A_1151 = arith.cmpi slt, %rem3A_1147, %lt3A_1150 : i32
      %lt3A_1152 = arith.constant 0 : i32
      %lt3A_1153 = arith.cmpi slt, %select_n3A_1146, %lt3A_1152 : i32
      %ne3A_1154 = arith.xori %lt3A_1151, %lt3A_1153 : i1
      %and3A_1155 = arith.andi %ne3A_1154, %ne3A_1149 : i1
      %add3A_1156 = arith.addi %rem3A_1147, %select_n3A_1146 : i32
      %select_n3A_1157 = arith.select %and3A_1155, %add3A_1156, %rem3A_1147 : i32
      %mul3A_1158 = arith.constant 4096 : i32
      %mul3A_1159 = arith.muli %select_n3A_1141, %mul3A_1158 : i32
      %add3A_1160 = arith.addi %mul3A_1159, %mul3A_2 : i32
      %mul3A_1161 = arith.constant 64 : i32
      %mul3A_1162 = arith.muli %select_n3A_1157, %mul3A_1161 : i32
      %add3A_1163 = arith.addi %add3A_1160, %mul3A_1162 : i32
      %dma_start3A_1164 = arith.constant 7 : i32
      %dma_start3A_1165 = arith.constant 0 : i32
      %dma_start3A_1166 = arith.constant 0 : i32
      %dma_start3A_1167 = tpu.memref_slice %arg6[%dma_start3A_1164, %dma_start3A_1165, %dma_start3A_1166] : memref<10x64x128xf32, #tpu.memory_space<vmem>> -> memref<1x64x128xf32, #tpu.memory_space<vmem>>
      %dma_start3A_1168 = tpu.memref_squeeze %dma_start3A_1167 : memref<1x64x128xf32, #tpu.memory_space<vmem>> -> memref<64x128xf32, #tpu.memory_space<vmem>>
      %dma_start3A_1169 = arith.constant 0 : i32
      %dma_start3A_1170 = tpu.memref_slice %arg4[%add3A_1163, %dma_start3A_1169] : memref<204800x128xf32, #tpu.memory_space<hbm>> -> memref<64x128xf32, #tpu.memory_space<hbm>>
      %dma_start3A_1171 = arith.constant 0 : i32
      %dma_start3A_1172 = tpu.memref_slice %arg4[%add3A_1163, %dma_start3A_1171] : memref<204800x128xf32, #tpu.memory_space<hbm>> -> memref<64x128xf32, #tpu.memory_space<hbm>>
      %dma_start3A_1173 = arith.constant 0 : i32
      %dma_start3A_1174 = arith.constant 0 : i32
      %dma_start3A_1175 = tpu.memref_slice %arg6[%dma_start3A_1164, %dma_start3A_1173, %dma_start3A_1174] : memref<10x64x128xf32, #tpu.memory_space<vmem>> -> memref<1x64x128xf32, #tpu.memory_space<vmem>>
      %dma_start3A_1176 = tpu.memref_squeeze %dma_start3A_1175 : memref<1x64x128xf32, #tpu.memory_space<vmem>> -> memref<64x128xf32, #tpu.memory_space<vmem>>
      tpu.enqueue_dma source(%dma_start3A_1176 : memref<64x128xf32, #tpu.memory_space<vmem>>) target(%dma_start3A_1172 : memref<64x128xf32, #tpu.memory_space<hbm>>) target_semaphore(%arg24 : memref<!tpu.dma_semaphore, #tpu.memory_space<semaphore_mem>>)
      %dma_wait3A_1177 = arith.constant 8 : i32
      %dma_wait3A_1178 = arith.constant 0 : i32
      %dma_wait3A_1179 = arith.constant 0 : i32
      %dma_wait3A_1180 = tpu.memref_slice %arg6[%dma_wait3A_1177, %dma_wait3A_1178, %dma_wait3A_1179] : memref<10x64x128xf32, #tpu.memory_space<vmem>> -> memref<1x64x128xf32, #tpu.memory_space<vmem>>
      %dma_wait3A_1181 = tpu.memref_squeeze %dma_wait3A_1180 : memref<1x64x128xf32, #tpu.memory_space<vmem>> -> memref<64x128xf32, #tpu.memory_space<vmem>>
      %dma_wait3A_1182 = arith.constant 0 : i32
      %dma_wait3A_1183 = arith.constant 0 : i32
      %dma_wait3A_1184 = tpu.memref_slice %arg3[%dma_wait3A_1182, %dma_wait3A_1183] : memref<100000x128xf32, #tpu.memory_space<hbm>> -> memref<64x128xf32, #tpu.memory_space<hbm>>
      %dma_wait3A_1185 = arith.constant 0 : i32
      %dma_wait3A_1186 = arith.constant 0 : i32
      %dma_wait3A_1187 = tpu.memref_slice %arg6[%dma_wait3A_1177, %dma_wait3A_1185, %dma_wait3A_1186] : memref<10x64x128xf32, #tpu.memory_space<vmem>> -> memref<1x64x128xf32, #tpu.memory_space<vmem>>
      %dma_wait3A_1188 = tpu.memref_squeeze %dma_wait3A_1187 : memref<1x64x128xf32, #tpu.memory_space<vmem>> -> memref<64x128xf32, #tpu.memory_space<vmem>>
      %dma_wait3A_1189 = arith.constant 0 : i32
      %dma_wait3A_1190 = arith.constant 0 : i32
      %dma_wait3A_1191 = tpu.memref_slice %arg3[%dma_wait3A_1189, %dma_wait3A_1190] : memref<100000x128xf32, #tpu.memory_space<hbm>> -> memref<64x128xf32, #tpu.memory_space<hbm>>
      tpu.wait_dma2 semaphore(%arg15 : memref<!tpu.dma_semaphore, #tpu.memory_space<semaphore_mem>>) src(%dma_wait3A_1191 : memref<64x128xf32, #tpu.memory_space<hbm>>) dst(%dma_wait3A_1188 : memref<64x128xf32, #tpu.memory_space<vmem>>)
      %add3A_1192 = arith.constant 8 : i32
      %add3A_1193 = arith.addi %mul3A_578, %add3A_1192 : i32
      %jit3A_1194 = arith.constant 2 : i32
      %div3A_1195 = arith.divsi %add3A_1193, %jit3A_1194 : i32
      %sign3A_1196 = arith.constant 0 : i32
      %sign3A_1197 = arith.cmpi sgt, %add3A_1193, %sign3A_1196 : i32
      %sign3A_1198 = arith.extui %sign3A_1197 : i1 to i32
      %sign3A_1199 = arith.constant 0 : i32
      %sign3A_1200 = arith.cmpi slt, %add3A_1193, %sign3A_1199 : i32
      %sign3A_1201 = arith.extui %sign3A_1200 : i1 to i32
      %sign3A_1202 = arith.subi %sign3A_1198, %sign3A_1201 : i32
      %sign3A_1203 = arith.constant 0 : i32
      %sign3A_1204 = arith.cmpi sgt, %jit3A_1194, %sign3A_1203 : i32
      %sign3A_1205 = arith.extui %sign3A_1204 : i1 to i32
      %sign3A_1206 = arith.constant 0 : i32
      %sign3A_1207 = arith.cmpi slt, %jit3A_1194, %sign3A_1206 : i32
      %sign3A_1208 = arith.extui %sign3A_1207 : i1 to i32
      %sign3A_1209 = arith.subi %sign3A_1205, %sign3A_1208 : i32
      %ne3A_1210 = arith.cmpi ne, %sign3A_1202, %sign3A_1209 : i32
      %rem3A_1211 = arith.remsi %add3A_1193, %jit3A_1194 : i32
      %ne3A_1212 = arith.constant 0 : i32
      %ne3A_1213 = arith.cmpi ne, %rem3A_1211, %ne3A_1212 : i32
      %and3A_1214 = arith.andi %ne3A_1210, %ne3A_1213 : i1
      %sub3A_1215 = arith.constant 1 : i32
      %sub3A_1216 = arith.subi %div3A_1195, %sub3A_1215 : i32
      %select_n3A_1217 = arith.select %and3A_1214, %sub3A_1216, %div3A_1195 : i32
      %jit3A_1218 = arith.constant 2 : i32
      %eq3A_1219 = arith.constant 0 : i32
      %eq3A_1220 = arith.cmpi eq, %jit3A_1218, %eq3A_1219 : i32
      %jit3A_1221 = arith.constant 1 : i32
      %select_n3A_1222 = arith.select %eq3A_1220, %jit3A_1221, %jit3A_1218 : i32
      %rem3A_1223 = arith.remsi %add3A_1193, %select_n3A_1222 : i32
      %ne3A_1224 = arith.constant 0 : i32
      %ne3A_1225 = arith.cmpi ne, %rem3A_1223, %ne3A_1224 : i32
      %lt3A_1226 = arith.constant 0 : i32
      %lt3A_1227 = arith.cmpi slt, %rem3A_1223, %lt3A_1226 : i32
      %lt3A_1228 = arith.constant 0 : i32
      %lt3A_1229 = arith.cmpi slt, %select_n3A_1222, %lt3A_1228 : i32
      %ne3A_1230 = arith.xori %lt3A_1227, %lt3A_1229 : i1
      %and3A_1231 = arith.andi %ne3A_1230, %ne3A_1225 : i1
      %add3A_1232 = arith.addi %rem3A_1223, %select_n3A_1222 : i32
      %select_n3A_1233 = arith.select %and3A_1231, %add3A_1232, %rem3A_1223 : i32
      %mul3A_1234 = arith.constant 4096 : i32
      %mul3A_1235 = arith.muli %select_n3A_1217, %mul3A_1234 : i32
      %add3A_1236 = arith.addi %mul3A_1235, %mul3A_2 : i32
      %mul3A_1237 = arith.constant 64 : i32
      %mul3A_1238 = arith.muli %select_n3A_1233, %mul3A_1237 : i32
      %add3A_1239 = arith.addi %add3A_1236, %mul3A_1238 : i32
      %dma_start3A_1240 = arith.constant 8 : i32
      %dma_start3A_1241 = arith.constant 0 : i32
      %dma_start3A_1242 = arith.constant 0 : i32
      %dma_start3A_1243 = tpu.memref_slice %arg6[%dma_start3A_1240, %dma_start3A_1241, %dma_start3A_1242] : memref<10x64x128xf32, #tpu.memory_space<vmem>> -> memref<1x64x128xf32, #tpu.memory_space<vmem>>
      %dma_start3A_1244 = tpu.memref_squeeze %dma_start3A_1243 : memref<1x64x128xf32, #tpu.memory_space<vmem>> -> memref<64x128xf32, #tpu.memory_space<vmem>>
      %dma_start3A_1245 = arith.constant 0 : i32
      %dma_start3A_1246 = tpu.memref_slice %arg4[%add3A_1239, %dma_start3A_1245] : memref<204800x128xf32, #tpu.memory_space<hbm>> -> memref<64x128xf32, #tpu.memory_space<hbm>>
      %dma_start3A_1247 = arith.constant 0 : i32
      %dma_start3A_1248 = tpu.memref_slice %arg4[%add3A_1239, %dma_start3A_1247] : memref<204800x128xf32, #tpu.memory_space<hbm>> -> memref<64x128xf32, #tpu.memory_space<hbm>>
      %dma_start3A_1249 = arith.constant 0 : i32
      %dma_start3A_1250 = arith.constant 0 : i32
      %dma_start3A_1251 = tpu.memref_slice %arg6[%dma_start3A_1240, %dma_start3A_1249, %dma_start3A_1250] : memref<10x64x128xf32, #tpu.memory_space<vmem>> -> memref<1x64x128xf32, #tpu.memory_space<vmem>>
      %dma_start3A_1252 = tpu.memref_squeeze %dma_start3A_1251 : memref<1x64x128xf32, #tpu.memory_space<vmem>> -> memref<64x128xf32, #tpu.memory_space<vmem>>
      tpu.enqueue_dma source(%dma_start3A_1252 : memref<64x128xf32, #tpu.memory_space<vmem>>) target(%dma_start3A_1248 : memref<64x128xf32, #tpu.memory_space<hbm>>) target_semaphore(%arg25 : memref<!tpu.dma_semaphore, #tpu.memory_space<semaphore_mem>>)
      %dma_wait3A_1253 = arith.constant 9 : i32
      %dma_wait3A_1254 = arith.constant 0 : i32
      %dma_wait3A_1255 = arith.constant 0 : i32
      %dma_wait3A_1256 = tpu.memref_slice %arg6[%dma_wait3A_1253, %dma_wait3A_1254, %dma_wait3A_1255] : memref<10x64x128xf32, #tpu.memory_space<vmem>> -> memref<1x64x128xf32, #tpu.memory_space<vmem>>
      %dma_wait3A_1257 = tpu.memref_squeeze %dma_wait3A_1256 : memref<1x64x128xf32, #tpu.memory_space<vmem>> -> memref<64x128xf32, #tpu.memory_space<vmem>>
      %dma_wait3A_1258 = arith.constant 0 : i32
      %dma_wait3A_1259 = arith.constant 0 : i32
      %dma_wait3A_1260 = tpu.memref_slice %arg3[%dma_wait3A_1258, %dma_wait3A_1259] : memref<100000x128xf32, #tpu.memory_space<hbm>> -> memref<64x128xf32, #tpu.memory_space<hbm>>
      %dma_wait3A_1261 = arith.constant 0 : i32
      %dma_wait3A_1262 = arith.constant 0 : i32
      %dma_wait3A_1263 = tpu.memref_slice %arg6[%dma_wait3A_1253, %dma_wait3A_1261, %dma_wait3A_1262] : memref<10x64x128xf32, #tpu.memory_space<vmem>> -> memref<1x64x128xf32, #tpu.memory_space<vmem>>
      %dma_wait3A_1264 = tpu.memref_squeeze %dma_wait3A_1263 : memref<1x64x128xf32, #tpu.memory_space<vmem>> -> memref<64x128xf32, #tpu.memory_space<vmem>>
      %dma_wait3A_1265 = arith.constant 0 : i32
      %dma_wait3A_1266 = arith.constant 0 : i32
      %dma_wait3A_1267 = tpu.memref_slice %arg3[%dma_wait3A_1265, %dma_wait3A_1266] : memref<100000x128xf32, #tpu.memory_space<hbm>> -> memref<64x128xf32, #tpu.memory_space<hbm>>
      tpu.wait_dma2 semaphore(%arg16 : memref<!tpu.dma_semaphore, #tpu.memory_space<semaphore_mem>>) src(%dma_wait3A_1267 : memref<64x128xf32, #tpu.memory_space<hbm>>) dst(%dma_wait3A_1264 : memref<64x128xf32, #tpu.memory_space<vmem>>)
      %add3A_1268 = arith.constant 9 : i32
      %add3A_1269 = arith.addi %mul3A_578, %add3A_1268 : i32
      %jit3A_1270 = arith.constant 2 : i32
      %div3A_1271 = arith.divsi %add3A_1269, %jit3A_1270 : i32
      %sign3A_1272 = arith.constant 0 : i32
      %sign3A_1273 = arith.cmpi sgt, %add3A_1269, %sign3A_1272 : i32
      %sign3A_1274 = arith.extui %sign3A_1273 : i1 to i32
      %sign3A_1275 = arith.constant 0 : i32
      %sign3A_1276 = arith.cmpi slt, %add3A_1269, %sign3A_1275 : i32
      %sign3A_1277 = arith.extui %sign3A_1276 : i1 to i32
      %sign3A_1278 = arith.subi %sign3A_1274, %sign3A_1277 : i32
      %sign3A_1279 = arith.constant 0 : i32
      %sign3A_1280 = arith.cmpi sgt, %jit3A_1270, %sign3A_1279 : i32
      %sign3A_1281 = arith.extui %sign3A_1280 : i1 to i32
      %sign3A_1282 = arith.constant 0 : i32
      %sign3A_1283 = arith.cmpi slt, %jit3A_1270, %sign3A_1282 : i32
      %sign3A_1284 = arith.extui %sign3A_1283 : i1 to i32
      %sign3A_1285 = arith.subi %sign3A_1281, %sign3A_1284 : i32
      %ne3A_1286 = arith.cmpi ne, %sign3A_1278, %sign3A_1285 : i32
      %rem3A_1287 = arith.remsi %add3A_1269, %jit3A_1270 : i32
      %ne3A_1288 = arith.constant 0 : i32
      %ne3A_1289 = arith.cmpi ne, %rem3A_1287, %ne3A_1288 : i32
      %and3A_1290 = arith.andi %ne3A_1286, %ne3A_1289 : i1
      %sub3A_1291 = arith.constant 1 : i32
      %sub3A_1292 = arith.subi %div3A_1271, %sub3A_1291 : i32
      %select_n3A_1293 = arith.select %and3A_1290, %sub3A_1292, %div3A_1271 : i32
      %jit3A_1294 = arith.constant 2 : i32
      %eq3A_1295 = arith.constant 0 : i32
      %eq3A_1296 = arith.cmpi eq, %jit3A_1294, %eq3A_1295 : i32
      %jit3A_1297 = arith.constant 1 : i32
      %select_n3A_1298 = arith.select %eq3A_1296, %jit3A_1297, %jit3A_1294 : i32
      %rem3A_1299 = arith.remsi %add3A_1269, %select_n3A_1298 : i32
      %ne3A_1300 = arith.constant 0 : i32
      %ne3A_1301 = arith.cmpi ne, %rem3A_1299, %ne3A_1300 : i32
      %lt3A_1302 = arith.constant 0 : i32
      %lt3A_1303 = arith.cmpi slt, %rem3A_1299, %lt3A_1302 : i32
      %lt3A_1304 = arith.constant 0 : i32
      %lt3A_1305 = arith.cmpi slt, %select_n3A_1298, %lt3A_1304 : i32
      %ne3A_1306 = arith.xori %lt3A_1303, %lt3A_1305 : i1
      %and3A_1307 = arith.andi %ne3A_1306, %ne3A_1301 : i1
      %add3A_1308 = arith.addi %rem3A_1299, %select_n3A_1298 : i32
      %select_n3A_1309 = arith.select %and3A_1307, %add3A_1308, %rem3A_1299 : i32
      %mul3A_1310 = arith.constant 4096 : i32
      %mul3A_1311 = arith.muli %select_n3A_1293, %mul3A_1310 : i32
      %add3A_1312 = arith.addi %mul3A_1311, %mul3A_2 : i32
      %mul3A_1313 = arith.constant 64 : i32
      %mul3A_1314 = arith.muli %select_n3A_1309, %mul3A_1313 : i32
      %add3A_1315 = arith.addi %add3A_1312, %mul3A_1314 : i32
      %dma_start3A_1316 = arith.constant 9 : i32
      %dma_start3A_1317 = arith.constant 0 : i32
      %dma_start3A_1318 = arith.constant 0 : i32
      %dma_start3A_1319 = tpu.memref_slice %arg6[%dma_start3A_1316, %dma_start3A_1317, %dma_start3A_1318] : memref<10x64x128xf32, #tpu.memory_space<vmem>> -> memref<1x64x128xf32, #tpu.memory_space<vmem>>
      %dma_start3A_1320 = tpu.memref_squeeze %dma_start3A_1319 : memref<1x64x128xf32, #tpu.memory_space<vmem>> -> memref<64x128xf32, #tpu.memory_space<vmem>>
      %dma_start3A_1321 = arith.constant 0 : i32
      %dma_start3A_1322 = tpu.memref_slice %arg4[%add3A_1315, %dma_start3A_1321] : memref<204800x128xf32, #tpu.memory_space<hbm>> -> memref<64x128xf32, #tpu.memory_space<hbm>>
      %dma_start3A_1323 = arith.constant 0 : i32
      %dma_start3A_1324 = tpu.memref_slice %arg4[%add3A_1315, %dma_start3A_1323] : memref<204800x128xf32, #tpu.memory_space<hbm>> -> memref<64x128xf32, #tpu.memory_space<hbm>>
      %dma_start3A_1325 = arith.constant 0 : i32
      %dma_start3A_1326 = arith.constant 0 : i32
      %dma_start3A_1327 = tpu.memref_slice %arg6[%dma_start3A_1316, %dma_start3A_1325, %dma_start3A_1326] : memref<10x64x128xf32, #tpu.memory_space<vmem>> -> memref<1x64x128xf32, #tpu.memory_space<vmem>>
      %dma_start3A_1328 = tpu.memref_squeeze %dma_start3A_1327 : memref<1x64x128xf32, #tpu.memory_space<vmem>> -> memref<64x128xf32, #tpu.memory_space<vmem>>
      tpu.enqueue_dma source(%dma_start3A_1328 : memref<64x128xf32, #tpu.memory_space<vmem>>) target(%dma_start3A_1324 : memref<64x128xf32, #tpu.memory_space<hbm>>) target_semaphore(%arg26 : memref<!tpu.dma_semaphore, #tpu.memory_space<semaphore_mem>>)
      %dma_wait3A_1329 = arith.constant 0 : i32
      %dma_wait3A_1330 = arith.constant 0 : i32
      %dma_wait3A_1331 = arith.constant 0 : i32
      %dma_wait3A_1332 = tpu.memref_slice %arg6[%dma_wait3A_1329, %dma_wait3A_1330, %dma_wait3A_1331] : memref<10x64x128xf32, #tpu.memory_space<vmem>> -> memref<1x64x128xf32, #tpu.memory_space<vmem>>
      %dma_wait3A_1333 = tpu.memref_squeeze %dma_wait3A_1332 : memref<1x64x128xf32, #tpu.memory_space<vmem>> -> memref<64x128xf32, #tpu.memory_space<vmem>>
      %dma_wait3A_1334 = arith.constant 0 : i32
      %dma_wait3A_1335 = tpu.memref_slice %arg4[%mul3A_2, %dma_wait3A_1334] : memref<204800x128xf32, #tpu.memory_space<hbm>> -> memref<64x128xf32, #tpu.memory_space<hbm>>
      %dma_wait3A_1336 = arith.constant 0 : i32
      %dma_wait3A_1337 = tpu.memref_slice %arg4[%mul3A_2, %dma_wait3A_1336] : memref<204800x128xf32, #tpu.memory_space<hbm>> -> memref<64x128xf32, #tpu.memory_space<hbm>>
      %dma_wait3A_1338 = arith.constant 0 : i32
      %dma_wait3A_1339 = arith.constant 0 : i32
      %dma_wait3A_1340 = tpu.memref_slice %arg6[%dma_wait3A_1329, %dma_wait3A_1338, %dma_wait3A_1339] : memref<10x64x128xf32, #tpu.memory_space<vmem>> -> memref<1x64x128xf32, #tpu.memory_space<vmem>>
      %dma_wait3A_1341 = tpu.memref_squeeze %dma_wait3A_1340 : memref<1x64x128xf32, #tpu.memory_space<vmem>> -> memref<64x128xf32, #tpu.memory_space<vmem>>
      tpu.wait_dma2 semaphore(%arg17 : memref<!tpu.dma_semaphore, #tpu.memory_space<semaphore_mem>>) src(%dma_wait3A_1341 : memref<64x128xf32, #tpu.memory_space<vmem>>) dst(%dma_wait3A_1337 : memref<64x128xf32, #tpu.memory_space<hbm>>)
      %add3A_1342 = arith.constant 10 : i32
      %add3A_1343 = arith.addi %mul3A_578, %add3A_1342 : i32
      %add3A_1344 = arith.constant 0 : i32
      %add3A_1345 = arith.addi %add3A_1343, %add3A_1344 : i32
      %dma_start3A_1346 = arith.constant 0 : i32
      %dma_start3A_1347 = arith.constant 0 : i32
      %dma_start3A_1348 = arith.constant 0 : i32
      %dma_start3A_1349 = tpu.memref_slice %arg6[%dma_start3A_1346, %dma_start3A_1347, %dma_start3A_1348] : memref<10x64x128xf32, #tpu.memory_space<vmem>> -> memref<1x64x128xf32, #tpu.memory_space<vmem>>
      %dma_start3A_1350 = tpu.memref_squeeze %dma_start3A_1349 : memref<1x64x128xf32, #tpu.memory_space<vmem>> -> memref<64x128xf32, #tpu.memory_space<vmem>>
      %dma_start3A_1351 = arith.constant 0 : i32
      %dma_start3A_1352 = tpu.memref_slice %arg5[%add3A_1345, %dma_start3A_1351] : memref<100x64xi32, #tpu.memory_space<vmem>> -> memref<1x64xi32, #tpu.memory_space<vmem>>
      %dma_start3A_1353 = tpu.memref_squeeze %dma_start3A_1352 : memref<1x64xi32, #tpu.memory_space<vmem>> -> memref<64xi32, #tpu.memory_space<vmem>>
      %dma_start3A_1354 = arith.constant 0 : i32
      %dma_start3A_1355 = arith.constant 0 : i32
      %dma_start3A_1356 = tpu.memref_slice %arg3[%dma_start3A_1354, %dma_start3A_1355] : memref<100000x128xf32, #tpu.memory_space<hbm>> -> memref<100000x128xf32, #tpu.memory_space<hbm>>
      tpu.enqueue_indirect_dma source(%dma_start3A_1356 : memref<100000x128xf32, #tpu.memory_space<hbm>>) target(%dma_start3A_1350 : memref<64x128xf32, #tpu.memory_space<vmem>>) offsets(%dma_start3A_1353 : memref<64xi32, #tpu.memory_space<vmem>>) semaphore(%arg7 : memref<!tpu.dma_semaphore, #tpu.memory_space<semaphore_mem>>)
      %dma_wait3A_1357 = arith.constant 1 : i32
      %dma_wait3A_1358 = arith.constant 0 : i32
      %dma_wait3A_1359 = arith.constant 0 : i32
      %dma_wait3A_1360 = tpu.memref_slice %arg6[%dma_wait3A_1357, %dma_wait3A_1358, %dma_wait3A_1359] : memref<10x64x128xf32, #tpu.memory_space<vmem>> -> memref<1x64x128xf32, #tpu.memory_space<vmem>>
      %dma_wait3A_1361 = tpu.memref_squeeze %dma_wait3A_1360 : memref<1x64x128xf32, #tpu.memory_space<vmem>> -> memref<64x128xf32, #tpu.memory_space<vmem>>
      %dma_wait3A_1362 = arith.constant 0 : i32
      %dma_wait3A_1363 = tpu.memref_slice %arg4[%mul3A_2, %dma_wait3A_1362] : memref<204800x128xf32, #tpu.memory_space<hbm>> -> memref<64x128xf32, #tpu.memory_space<hbm>>
      %dma_wait3A_1364 = arith.constant 0 : i32
      %dma_wait3A_1365 = tpu.memref_slice %arg4[%mul3A_2, %dma_wait3A_1364] : memref<204800x128xf32, #tpu.memory_space<hbm>> -> memref<64x128xf32, #tpu.memory_space<hbm>>
      %dma_wait3A_1366 = arith.constant 0 : i32
      %dma_wait3A_1367 = arith.constant 0 : i32
      %dma_wait3A_1368 = tpu.memref_slice %arg6[%dma_wait3A_1357, %dma_wait3A_1366, %dma_wait3A_1367] : memref<10x64x128xf32, #tpu.memory_space<vmem>> -> memref<1x64x128xf32, #tpu.memory_space<vmem>>
      %dma_wait3A_1369 = tpu.memref_squeeze %dma_wait3A_1368 : memref<1x64x128xf32, #tpu.memory_space<vmem>> -> memref<64x128xf32, #tpu.memory_space<vmem>>
      tpu.wait_dma2 semaphore(%arg18 : memref<!tpu.dma_semaphore, #tpu.memory_space<semaphore_mem>>) src(%dma_wait3A_1369 : memref<64x128xf32, #tpu.memory_space<vmem>>) dst(%dma_wait3A_1365 : memref<64x128xf32, #tpu.memory_space<hbm>>)
      %add3A_1370 = arith.constant 10 : i32
      %add3A_1371 = arith.addi %mul3A_578, %add3A_1370 : i32
      %add3A_1372 = arith.constant 1 : i32
      %add3A_1373 = arith.addi %add3A_1371, %add3A_1372 : i32
      %dma_start3A_1374 = arith.constant 1 : i32
      %dma_start3A_1375 = arith.constant 0 : i32
      %dma_start3A_1376 = arith.constant 0 : i32
      %dma_start3A_1377 = tpu.memref_slice %arg6[%dma_start3A_1374, %dma_start3A_1375, %dma_start3A_1376] : memref<10x64x128xf32, #tpu.memory_space<vmem>> -> memref<1x64x128xf32, #tpu.memory_space<vmem>>
      %dma_start3A_1378 = tpu.memref_squeeze %dma_start3A_1377 : memref<1x64x128xf32, #tpu.memory_space<vmem>> -> memref<64x128xf32, #tpu.memory_space<vmem>>
      %dma_start3A_1379 = arith.constant 0 : i32
      %dma_start3A_1380 = tpu.memref_slice %arg5[%add3A_1373, %dma_start3A_1379] : memref<100x64xi32, #tpu.memory_space<vmem>> -> memref<1x64xi32, #tpu.memory_space<vmem>>
      %dma_start3A_1381 = tpu.memref_squeeze %dma_start3A_1380 : memref<1x64xi32, #tpu.memory_space<vmem>> -> memref<64xi32, #tpu.memory_space<vmem>>
      %dma_start3A_1382 = arith.constant 0 : i32
      %dma_start3A_1383 = arith.constant 0 : i32
      %dma_start3A_1384 = tpu.memref_slice %arg3[%dma_start3A_1382, %dma_start3A_1383] : memref<100000x128xf32, #tpu.memory_space<hbm>> -> memref<100000x128xf32, #tpu.memory_space<hbm>>
      tpu.enqueue_indirect_dma source(%dma_start3A_1384 : memref<100000x128xf32, #tpu.memory_space<hbm>>) target(%dma_start3A_1378 : memref<64x128xf32, #tpu.memory_space<vmem>>) offsets(%dma_start3A_1381 : memref<64xi32, #tpu.memory_space<vmem>>) semaphore(%arg8 : memref<!tpu.dma_semaphore, #tpu.memory_space<semaphore_mem>>)
      %dma_wait3A_1385 = arith.constant 2 : i32
      %dma_wait3A_1386 = arith.constant 0 : i32
      %dma_wait3A_1387 = arith.constant 0 : i32
      %dma_wait3A_1388 = tpu.memref_slice %arg6[%dma_wait3A_1385, %dma_wait3A_1386, %dma_wait3A_1387] : memref<10x64x128xf32, #tpu.memory_space<vmem>> -> memref<1x64x128xf32, #tpu.memory_space<vmem>>
      %dma_wait3A_1389 = tpu.memref_squeeze %dma_wait3A_1388 : memref<1x64x128xf32, #tpu.memory_space<vmem>> -> memref<64x128xf32, #tpu.memory_space<vmem>>
      %dma_wait3A_1390 = arith.constant 0 : i32
      %dma_wait3A_1391 = tpu.memref_slice %arg4[%mul3A_2, %dma_wait3A_1390] : memref<204800x128xf32, #tpu.memory_space<hbm>> -> memref<64x128xf32, #tpu.memory_space<hbm>>
      %dma_wait3A_1392 = arith.constant 0 : i32
      %dma_wait3A_1393 = tpu.memref_slice %arg4[%mul3A_2, %dma_wait3A_1392] : memref<204800x128xf32, #tpu.memory_space<hbm>> -> memref<64x128xf32, #tpu.memory_space<hbm>>
      %dma_wait3A_1394 = arith.constant 0 : i32
      %dma_wait3A_1395 = arith.constant 0 : i32
      %dma_wait3A_1396 = tpu.memref_slice %arg6[%dma_wait3A_1385, %dma_wait3A_1394, %dma_wait3A_1395] : memref<10x64x128xf32, #tpu.memory_space<vmem>> -> memref<1x64x128xf32, #tpu.memory_space<vmem>>
      %dma_wait3A_1397 = tpu.memref_squeeze %dma_wait3A_1396 : memref<1x64x128xf32, #tpu.memory_space<vmem>> -> memref<64x128xf32, #tpu.memory_space<vmem>>
      tpu.wait_dma2 semaphore(%arg19 : memref<!tpu.dma_semaphore, #tpu.memory_space<semaphore_mem>>) src(%dma_wait3A_1397 : memref<64x128xf32, #tpu.memory_space<vmem>>) dst(%dma_wait3A_1393 : memref<64x128xf32, #tpu.memory_space<hbm>>)
      %add3A_1398 = arith.constant 10 : i32
      %add3A_1399 = arith.addi %mul3A_578, %add3A_1398 : i32
      %add3A_1400 = arith.constant 2 : i32
      %add3A_1401 = arith.addi %add3A_1399, %add3A_1400 : i32
      %dma_start3A_1402 = arith.constant 2 : i32
      %dma_start3A_1403 = arith.constant 0 : i32
      %dma_start3A_1404 = arith.constant 0 : i32
      %dma_start3A_1405 = tpu.memref_slice %arg6[%dma_start3A_1402, %dma_start3A_1403, %dma_start3A_1404] : memref<10x64x128xf32, #tpu.memory_space<vmem>> -> memref<1x64x128xf32, #tpu.memory_space<vmem>>
      %dma_start3A_1406 = tpu.memref_squeeze %dma_start3A_1405 : memref<1x64x128xf32, #tpu.memory_space<vmem>> -> memref<64x128xf32, #tpu.memory_space<vmem>>
      %dma_start3A_1407 = arith.constant 0 : i32
      %dma_start3A_1408 = tpu.memref_slice %arg5[%add3A_1401, %dma_start3A_1407] : memref<100x64xi32, #tpu.memory_space<vmem>> -> memref<1x64xi32, #tpu.memory_space<vmem>>
      %dma_start3A_1409 = tpu.memref_squeeze %dma_start3A_1408 : memref<1x64xi32, #tpu.memory_space<vmem>> -> memref<64xi32, #tpu.memory_space<vmem>>
      %dma_start3A_1410 = arith.constant 0 : i32
      %dma_start3A_1411 = arith.constant 0 : i32
      %dma_start3A_1412 = tpu.memref_slice %arg3[%dma_start3A_1410, %dma_start3A_1411] : memref<100000x128xf32, #tpu.memory_space<hbm>> -> memref<100000x128xf32, #tpu.memory_space<hbm>>
      tpu.enqueue_indirect_dma source(%dma_start3A_1412 : memref<100000x128xf32, #tpu.memory_space<hbm>>) target(%dma_start3A_1406 : memref<64x128xf32, #tpu.memory_space<vmem>>) offsets(%dma_start3A_1409 : memref<64xi32, #tpu.memory_space<vmem>>) semaphore(%arg9 : memref<!tpu.dma_semaphore, #tpu.memory_space<semaphore_mem>>)
      %dma_wait3A_1413 = arith.constant 3 : i32
      %dma_wait3A_1414 = arith.constant 0 : i32
      %dma_wait3A_1415 = arith.constant 0 : i32
      %dma_wait3A_1416 = tpu.memref_slice %arg6[%dma_wait3A_1413, %dma_wait3A_1414, %dma_wait3A_1415] : memref<10x64x128xf32, #tpu.memory_space<vmem>> -> memref<1x64x128xf32, #tpu.memory_space<vmem>>
      %dma_wait3A_1417 = tpu.memref_squeeze %dma_wait3A_1416 : memref<1x64x128xf32, #tpu.memory_space<vmem>> -> memref<64x128xf32, #tpu.memory_space<vmem>>
      %dma_wait3A_1418 = arith.constant 0 : i32
      %dma_wait3A_1419 = tpu.memref_slice %arg4[%mul3A_2, %dma_wait3A_1418] : memref<204800x128xf32, #tpu.memory_space<hbm>> -> memref<64x128xf32, #tpu.memory_space<hbm>>
      %dma_wait3A_1420 = arith.constant 0 : i32
      %dma_wait3A_1421 = tpu.memref_slice %arg4[%mul3A_2, %dma_wait3A_1420] : memref<204800x128xf32, #tpu.memory_space<hbm>> -> memref<64x128xf32, #tpu.memory_space<hbm>>
      %dma_wait3A_1422 = arith.constant 0 : i32
      %dma_wait3A_1423 = arith.constant 0 : i32
      %dma_wait3A_1424 = tpu.memref_slice %arg6[%dma_wait3A_1413, %dma_wait3A_1422, %dma_wait3A_1423] : memref<10x64x128xf32, #tpu.memory_space<vmem>> -> memref<1x64x128xf32, #tpu.memory_space<vmem>>
      %dma_wait3A_1425 = tpu.memref_squeeze %dma_wait3A_1424 : memref<1x64x128xf32, #tpu.memory_space<vmem>> -> memref<64x128xf32, #tpu.memory_space<vmem>>
      tpu.wait_dma2 semaphore(%arg20 : memref<!tpu.dma_semaphore, #tpu.memory_space<semaphore_mem>>) src(%dma_wait3A_1425 : memref<64x128xf32, #tpu.memory_space<vmem>>) dst(%dma_wait3A_1421 : memref<64x128xf32, #tpu.memory_space<hbm>>)
      %add3A_1426 = arith.constant 10 : i32
      %add3A_1427 = arith.addi %mul3A_578, %add3A_1426 : i32
      %add3A_1428 = arith.constant 3 : i32
      %add3A_1429 = arith.addi %add3A_1427, %add3A_1428 : i32
      %dma_start3A_1430 = arith.constant 3 : i32
      %dma_start3A_1431 = arith.constant 0 : i32
      %dma_start3A_1432 = arith.constant 0 : i32
      %dma_start3A_1433 = tpu.memref_slice %arg6[%dma_start3A_1430, %dma_start3A_1431, %dma_start3A_1432] : memref<10x64x128xf32, #tpu.memory_space<vmem>> -> memref<1x64x128xf32, #tpu.memory_space<vmem>>
      %dma_start3A_1434 = tpu.memref_squeeze %dma_start3A_1433 : memref<1x64x128xf32, #tpu.memory_space<vmem>> -> memref<64x128xf32, #tpu.memory_space<vmem>>
      %dma_start3A_1435 = arith.constant 0 : i32
      %dma_start3A_1436 = tpu.memref_slice %arg5[%add3A_1429, %dma_start3A_1435] : memref<100x64xi32, #tpu.memory_space<vmem>> -> memref<1x64xi32, #tpu.memory_space<vmem>>
      %dma_start3A_1437 = tpu.memref_squeeze %dma_start3A_1436 : memref<1x64xi32, #tpu.memory_space<vmem>> -> memref<64xi32, #tpu.memory_space<vmem>>
      %dma_start3A_1438 = arith.constant 0 : i32
      %dma_start3A_1439 = arith.constant 0 : i32
      %dma_start3A_1440 = tpu.memref_slice %arg3[%dma_start3A_1438, %dma_start3A_1439] : memref<100000x128xf32, #tpu.memory_space<hbm>> -> memref<100000x128xf32, #tpu.memory_space<hbm>>
      tpu.enqueue_indirect_dma source(%dma_start3A_1440 : memref<100000x128xf32, #tpu.memory_space<hbm>>) target(%dma_start3A_1434 : memref<64x128xf32, #tpu.memory_space<vmem>>) offsets(%dma_start3A_1437 : memref<64xi32, #tpu.memory_space<vmem>>) semaphore(%arg10 : memref<!tpu.dma_semaphore, #tpu.memory_space<semaphore_mem>>)
      %dma_wait3A_1441 = arith.constant 4 : i32
      %dma_wait3A_1442 = arith.constant 0 : i32
      %dma_wait3A_1443 = arith.constant 0 : i32
      %dma_wait3A_1444 = tpu.memref_slice %arg6[%dma_wait3A_1441, %dma_wait3A_1442, %dma_wait3A_1443] : memref<10x64x128xf32, #tpu.memory_space<vmem>> -> memref<1x64x128xf32, #tpu.memory_space<vmem>>
      %dma_wait3A_1445 = tpu.memref_squeeze %dma_wait3A_1444 : memref<1x64x128xf32, #tpu.memory_space<vmem>> -> memref<64x128xf32, #tpu.memory_space<vmem>>
      %dma_wait3A_1446 = arith.constant 0 : i32
      %dma_wait3A_1447 = tpu.memref_slice %arg4[%mul3A_2, %dma_wait3A_1446] : memref<204800x128xf32, #tpu.memory_space<hbm>> -> memref<64x128xf32, #tpu.memory_space<hbm>>
      %dma_wait3A_1448 = arith.constant 0 : i32
      %dma_wait3A_1449 = tpu.memref_slice %arg4[%mul3A_2, %dma_wait3A_1448] : memref<204800x128xf32, #tpu.memory_space<hbm>> -> memref<64x128xf32, #tpu.memory_space<hbm>>
      %dma_wait3A_1450 = arith.constant 0 : i32
      %dma_wait3A_1451 = arith.constant 0 : i32
      %dma_wait3A_1452 = tpu.memref_slice %arg6[%dma_wait3A_1441, %dma_wait3A_1450, %dma_wait3A_1451] : memref<10x64x128xf32, #tpu.memory_space<vmem>> -> memref<1x64x128xf32, #tpu.memory_space<vmem>>
      %dma_wait3A_1453 = tpu.memref_squeeze %dma_wait3A_1452 : memref<1x64x128xf32, #tpu.memory_space<vmem>> -> memref<64x128xf32, #tpu.memory_space<vmem>>
      tpu.wait_dma2 semaphore(%arg21 : memref<!tpu.dma_semaphore, #tpu.memory_space<semaphore_mem>>) src(%dma_wait3A_1453 : memref<64x128xf32, #tpu.memory_space<vmem>>) dst(%dma_wait3A_1449 : memref<64x128xf32, #tpu.memory_space<hbm>>)
      %add3A_1454 = arith.constant 10 : i32
      %add3A_1455 = arith.addi %mul3A_578, %add3A_1454 : i32
      %add3A_1456 = arith.constant 4 : i32
      %add3A_1457 = arith.addi %add3A_1455, %add3A_1456 : i32
      %dma_start3A_1458 = arith.constant 4 : i32
      %dma_start3A_1459 = arith.constant 0 : i32
      %dma_start3A_1460 = arith.constant 0 : i32
      %dma_start3A_1461 = tpu.memref_slice %arg6[%dma_start3A_1458, %dma_start3A_1459, %dma_start3A_1460] : memref<10x64x128xf32, #tpu.memory_space<vmem>> -> memref<1x64x128xf32, #tpu.memory_space<vmem>>
      %dma_start3A_1462 = tpu.memref_squeeze %dma_start3A_1461 : memref<1x64x128xf32, #tpu.memory_space<vmem>> -> memref<64x128xf32, #tpu.memory_space<vmem>>
      %dma_start3A_1463 = arith.constant 0 : i32
      %dma_start3A_1464 = tpu.memref_slice %arg5[%add3A_1457, %dma_start3A_1463] : memref<100x64xi32, #tpu.memory_space<vmem>> -> memref<1x64xi32, #tpu.memory_space<vmem>>
      %dma_start3A_1465 = tpu.memref_squeeze %dma_start3A_1464 : memref<1x64xi32, #tpu.memory_space<vmem>> -> memref<64xi32, #tpu.memory_space<vmem>>
      %dma_start3A_1466 = arith.constant 0 : i32
      %dma_start3A_1467 = arith.constant 0 : i32
      %dma_start3A_1468 = tpu.memref_slice %arg3[%dma_start3A_1466, %dma_start3A_1467] : memref<100000x128xf32, #tpu.memory_space<hbm>> -> memref<100000x128xf32, #tpu.memory_space<hbm>>
      tpu.enqueue_indirect_dma source(%dma_start3A_1468 : memref<100000x128xf32, #tpu.memory_space<hbm>>) target(%dma_start3A_1462 : memref<64x128xf32, #tpu.memory_space<vmem>>) offsets(%dma_start3A_1465 : memref<64xi32, #tpu.memory_space<vmem>>) semaphore(%arg11 : memref<!tpu.dma_semaphore, #tpu.memory_space<semaphore_mem>>)
      %dma_wait3A_1469 = arith.constant 5 : i32
      %dma_wait3A_1470 = arith.constant 0 : i32
      %dma_wait3A_1471 = arith.constant 0 : i32
      %dma_wait3A_1472 = tpu.memref_slice %arg6[%dma_wait3A_1469, %dma_wait3A_1470, %dma_wait3A_1471] : memref<10x64x128xf32, #tpu.memory_space<vmem>> -> memref<1x64x128xf32, #tpu.memory_space<vmem>>
      %dma_wait3A_1473 = tpu.memref_squeeze %dma_wait3A_1472 : memref<1x64x128xf32, #tpu.memory_space<vmem>> -> memref<64x128xf32, #tpu.memory_space<vmem>>
      %dma_wait3A_1474 = arith.constant 0 : i32
      %dma_wait3A_1475 = tpu.memref_slice %arg4[%mul3A_2, %dma_wait3A_1474] : memref<204800x128xf32, #tpu.memory_space<hbm>> -> memref<64x128xf32, #tpu.memory_space<hbm>>
      %dma_wait3A_1476 = arith.constant 0 : i32
      %dma_wait3A_1477 = tpu.memref_slice %arg4[%mul3A_2, %dma_wait3A_1476] : memref<204800x128xf32, #tpu.memory_space<hbm>> -> memref<64x128xf32, #tpu.memory_space<hbm>>
      %dma_wait3A_1478 = arith.constant 0 : i32
      %dma_wait3A_1479 = arith.constant 0 : i32
      %dma_wait3A_1480 = tpu.memref_slice %arg6[%dma_wait3A_1469, %dma_wait3A_1478, %dma_wait3A_1479] : memref<10x64x128xf32, #tpu.memory_space<vmem>> -> memref<1x64x128xf32, #tpu.memory_space<vmem>>
      %dma_wait3A_1481 = tpu.memref_squeeze %dma_wait3A_1480 : memref<1x64x128xf32, #tpu.memory_space<vmem>> -> memref<64x128xf32, #tpu.memory_space<vmem>>
      tpu.wait_dma2 semaphore(%arg22 : memref<!tpu.dma_semaphore, #tpu.memory_space<semaphore_mem>>) src(%dma_wait3A_1481 : memref<64x128xf32, #tpu.memory_space<vmem>>) dst(%dma_wait3A_1477 : memref<64x128xf32, #tpu.memory_space<hbm>>)
      %add3A_1482 = arith.constant 10 : i32
      %add3A_1483 = arith.addi %mul3A_578, %add3A_1482 : i32
      %add3A_1484 = arith.constant 5 : i32
      %add3A_1485 = arith.addi %add3A_1483, %add3A_1484 : i32
      %dma_start3A_1486 = arith.constant 5 : i32
      %dma_start3A_1487 = arith.constant 0 : i32
      %dma_start3A_1488 = arith.constant 0 : i32
      %dma_start3A_1489 = tpu.memref_slice %arg6[%dma_start3A_1486, %dma_start3A_1487, %dma_start3A_1488] : memref<10x64x128xf32, #tpu.memory_space<vmem>> -> memref<1x64x128xf32, #tpu.memory_space<vmem>>
      %dma_start3A_1490 = tpu.memref_squeeze %dma_start3A_1489 : memref<1x64x128xf32, #tpu.memory_space<vmem>> -> memref<64x128xf32, #tpu.memory_space<vmem>>
      %dma_start3A_1491 = arith.constant 0 : i32
      %dma_start3A_1492 = tpu.memref_slice %arg5[%add3A_1485, %dma_start3A_1491] : memref<100x64xi32, #tpu.memory_space<vmem>> -> memref<1x64xi32, #tpu.memory_space<vmem>>
      %dma_start3A_1493 = tpu.memref_squeeze %dma_start3A_1492 : memref<1x64xi32, #tpu.memory_space<vmem>> -> memref<64xi32, #tpu.memory_space<vmem>>
      %dma_start3A_1494 = arith.constant 0 : i32
      %dma_start3A_1495 = arith.constant 0 : i32
      %dma_start3A_1496 = tpu.memref_slice %arg3[%dma_start3A_1494, %dma_start3A_1495] : memref<100000x128xf32, #tpu.memory_space<hbm>> -> memref<100000x128xf32, #tpu.memory_space<hbm>>
      tpu.enqueue_indirect_dma source(%dma_start3A_1496 : memref<100000x128xf32, #tpu.memory_space<hbm>>) target(%dma_start3A_1490 : memref<64x128xf32, #tpu.memory_space<vmem>>) offsets(%dma_start3A_1493 : memref<64xi32, #tpu.memory_space<vmem>>) semaphore(%arg12 : memref<!tpu.dma_semaphore, #tpu.memory_space<semaphore_mem>>)
      %dma_wait3A_1497 = arith.constant 6 : i32
      %dma_wait3A_1498 = arith.constant 0 : i32
      %dma_wait3A_1499 = arith.constant 0 : i32
      %dma_wait3A_1500 = tpu.memref_slice %arg6[%dma_wait3A_1497, %dma_wait3A_1498, %dma_wait3A_1499] : memref<10x64x128xf32, #tpu.memory_space<vmem>> -> memref<1x64x128xf32, #tpu.memory_space<vmem>>
      %dma_wait3A_1501 = tpu.memref_squeeze %dma_wait3A_1500 : memref<1x64x128xf32, #tpu.memory_space<vmem>> -> memref<64x128xf32, #tpu.memory_space<vmem>>
      %dma_wait3A_1502 = arith.constant 0 : i32
      %dma_wait3A_1503 = tpu.memref_slice %arg4[%mul3A_2, %dma_wait3A_1502] : memref<204800x128xf32, #tpu.memory_space<hbm>> -> memref<64x128xf32, #tpu.memory_space<hbm>>
      %dma_wait3A_1504 = arith.constant 0 : i32
      %dma_wait3A_1505 = tpu.memref_slice %arg4[%mul3A_2, %dma_wait3A_1504] : memref<204800x128xf32, #tpu.memory_space<hbm>> -> memref<64x128xf32, #tpu.memory_space<hbm>>
      %dma_wait3A_1506 = arith.constant 0 : i32
      %dma_wait3A_1507 = arith.constant 0 : i32
      %dma_wait3A_1508 = tpu.memref_slice %arg6[%dma_wait3A_1497, %dma_wait3A_1506, %dma_wait3A_1507] : memref<10x64x128xf32, #tpu.memory_space<vmem>> -> memref<1x64x128xf32, #tpu.memory_space<vmem>>
      %dma_wait3A_1509 = tpu.memref_squeeze %dma_wait3A_1508 : memref<1x64x128xf32, #tpu.memory_space<vmem>> -> memref<64x128xf32, #tpu.memory_space<vmem>>
      tpu.wait_dma2 semaphore(%arg23 : memref<!tpu.dma_semaphore, #tpu.memory_space<semaphore_mem>>) src(%dma_wait3A_1509 : memref<64x128xf32, #tpu.memory_space<vmem>>) dst(%dma_wait3A_1505 : memref<64x128xf32, #tpu.memory_space<hbm>>)
      %add3A_1510 = arith.constant 10 : i32
      %add3A_1511 = arith.addi %mul3A_578, %add3A_1510 : i32
      %add3A_1512 = arith.constant 6 : i32
      %add3A_1513 = arith.addi %add3A_1511, %add3A_1512 : i32
      %dma_start3A_1514 = arith.constant 6 : i32
      %dma_start3A_1515 = arith.constant 0 : i32
      %dma_start3A_1516 = arith.constant 0 : i32
      %dma_start3A_1517 = tpu.memref_slice %arg6[%dma_start3A_1514, %dma_start3A_1515, %dma_start3A_1516] : memref<10x64x128xf32, #tpu.memory_space<vmem>> -> memref<1x64x128xf32, #tpu.memory_space<vmem>>
      %dma_start3A_1518 = tpu.memref_squeeze %dma_start3A_1517 : memref<1x64x128xf32, #tpu.memory_space<vmem>> -> memref<64x128xf32, #tpu.memory_space<vmem>>
      %dma_start3A_1519 = arith.constant 0 : i32
      %dma_start3A_1520 = tpu.memref_slice %arg5[%add3A_1513, %dma_start3A_1519] : memref<100x64xi32, #tpu.memory_space<vmem>> -> memref<1x64xi32, #tpu.memory_space<vmem>>
      %dma_start3A_1521 = tpu.memref_squeeze %dma_start3A_1520 : memref<1x64xi32, #tpu.memory_space<vmem>> -> memref<64xi32, #tpu.memory_space<vmem>>
      %dma_start3A_1522 = arith.constant 0 : i32
      %dma_start3A_1523 = arith.constant 0 : i32
      %dma_start3A_1524 = tpu.memref_slice %arg3[%dma_start3A_1522, %dma_start3A_1523] : memref<100000x128xf32, #tpu.memory_space<hbm>> -> memref<100000x128xf32, #tpu.memory_space<hbm>>
      tpu.enqueue_indirect_dma source(%dma_start3A_1524 : memref<100000x128xf32, #tpu.memory_space<hbm>>) target(%dma_start3A_1518 : memref<64x128xf32, #tpu.memory_space<vmem>>) offsets(%dma_start3A_1521 : memref<64xi32, #tpu.memory_space<vmem>>) semaphore(%arg13 : memref<!tpu.dma_semaphore, #tpu.memory_space<semaphore_mem>>)
      %dma_wait3A_1525 = arith.constant 7 : i32
      %dma_wait3A_1526 = arith.constant 0 : i32
      %dma_wait3A_1527 = arith.constant 0 : i32
      %dma_wait3A_1528 = tpu.memref_slice %arg6[%dma_wait3A_1525, %dma_wait3A_1526, %dma_wait3A_1527] : memref<10x64x128xf32, #tpu.memory_space<vmem>> -> memref<1x64x128xf32, #tpu.memory_space<vmem>>
      %dma_wait3A_1529 = tpu.memref_squeeze %dma_wait3A_1528 : memref<1x64x128xf32, #tpu.memory_space<vmem>> -> memref<64x128xf32, #tpu.memory_space<vmem>>
      %dma_wait3A_1530 = arith.constant 0 : i32
      %dma_wait3A_1531 = tpu.memref_slice %arg4[%mul3A_2, %dma_wait3A_1530] : memref<204800x128xf32, #tpu.memory_space<hbm>> -> memref<64x128xf32, #tpu.memory_space<hbm>>
      %dma_wait3A_1532 = arith.constant 0 : i32
      %dma_wait3A_1533 = tpu.memref_slice %arg4[%mul3A_2, %dma_wait3A_1532] : memref<204800x128xf32, #tpu.memory_space<hbm>> -> memref<64x128xf32, #tpu.memory_space<hbm>>
      %dma_wait3A_1534 = arith.constant 0 : i32
      %dma_wait3A_1535 = arith.constant 0 : i32
      %dma_wait3A_1536 = tpu.memref_slice %arg6[%dma_wait3A_1525, %dma_wait3A_1534, %dma_wait3A_1535] : memref<10x64x128xf32, #tpu.memory_space<vmem>> -> memref<1x64x128xf32, #tpu.memory_space<vmem>>
      %dma_wait3A_1537 = tpu.memref_squeeze %dma_wait3A_1536 : memref<1x64x128xf32, #tpu.memory_space<vmem>> -> memref<64x128xf32, #tpu.memory_space<vmem>>
      tpu.wait_dma2 semaphore(%arg24 : memref<!tpu.dma_semaphore, #tpu.memory_space<semaphore_mem>>) src(%dma_wait3A_1537 : memref<64x128xf32, #tpu.memory_space<vmem>>) dst(%dma_wait3A_1533 : memref<64x128xf32, #tpu.memory_space<hbm>>)
      %add3A_1538 = arith.constant 10 : i32
      %add3A_1539 = arith.addi %mul3A_578, %add3A_1538 : i32
      %add3A_1540 = arith.constant 7 : i32
      %add3A_1541 = arith.addi %add3A_1539, %add3A_1540 : i32
      %dma_start3A_1542 = arith.constant 7 : i32
      %dma_start3A_1543 = arith.constant 0 : i32
      %dma_start3A_1544 = arith.constant 0 : i32
      %dma_start3A_1545 = tpu.memref_slice %arg6[%dma_start3A_1542, %dma_start3A_1543, %dma_start3A_1544] : memref<10x64x128xf32, #tpu.memory_space<vmem>> -> memref<1x64x128xf32, #tpu.memory_space<vmem>>
      %dma_start3A_1546 = tpu.memref_squeeze %dma_start3A_1545 : memref<1x64x128xf32, #tpu.memory_space<vmem>> -> memref<64x128xf32, #tpu.memory_space<vmem>>
      %dma_start3A_1547 = arith.constant 0 : i32
      %dma_start3A_1548 = tpu.memref_slice %arg5[%add3A_1541, %dma_start3A_1547] : memref<100x64xi32, #tpu.memory_space<vmem>> -> memref<1x64xi32, #tpu.memory_space<vmem>>
      %dma_start3A_1549 = tpu.memref_squeeze %dma_start3A_1548 : memref<1x64xi32, #tpu.memory_space<vmem>> -> memref<64xi32, #tpu.memory_space<vmem>>
      %dma_start3A_1550 = arith.constant 0 : i32
      %dma_start3A_1551 = arith.constant 0 : i32
      %dma_start3A_1552 = tpu.memref_slice %arg3[%dma_start3A_1550, %dma_start3A_1551] : memref<100000x128xf32, #tpu.memory_space<hbm>> -> memref<100000x128xf32, #tpu.memory_space<hbm>>
      tpu.enqueue_indirect_dma source(%dma_start3A_1552 : memref<100000x128xf32, #tpu.memory_space<hbm>>) target(%dma_start3A_1546 : memref<64x128xf32, #tpu.memory_space<vmem>>) offsets(%dma_start3A_1549 : memref<64xi32, #tpu.memory_space<vmem>>) semaphore(%arg14 : memref<!tpu.dma_semaphore, #tpu.memory_space<semaphore_mem>>)
      %dma_wait3A_1553 = arith.constant 8 : i32
      %dma_wait3A_1554 = arith.constant 0 : i32
      %dma_wait3A_1555 = arith.constant 0 : i32
      %dma_wait3A_1556 = tpu.memref_slice %arg6[%dma_wait3A_1553, %dma_wait3A_1554, %dma_wait3A_1555] : memref<10x64x128xf32, #tpu.memory_space<vmem>> -> memref<1x64x128xf32, #tpu.memory_space<vmem>>
      %dma_wait3A_1557 = tpu.memref_squeeze %dma_wait3A_1556 : memref<1x64x128xf32, #tpu.memory_space<vmem>> -> memref<64x128xf32, #tpu.memory_space<vmem>>
      %dma_wait3A_1558 = arith.constant 0 : i32
      %dma_wait3A_1559 = tpu.memref_slice %arg4[%mul3A_2, %dma_wait3A_1558] : memref<204800x128xf32, #tpu.memory_space<hbm>> -> memref<64x128xf32, #tpu.memory_space<hbm>>
      %dma_wait3A_1560 = arith.constant 0 : i32
      %dma_wait3A_1561 = tpu.memref_slice %arg4[%mul3A_2, %dma_wait3A_1560] : memref<204800x128xf32, #tpu.memory_space<hbm>> -> memref<64x128xf32, #tpu.memory_space<hbm>>
      %dma_wait3A_1562 = arith.constant 0 : i32
      %dma_wait3A_1563 = arith.constant 0 : i32
      %dma_wait3A_1564 = tpu.memref_slice %arg6[%dma_wait3A_1553, %dma_wait3A_1562, %dma_wait3A_1563] : memref<10x64x128xf32, #tpu.memory_space<vmem>> -> memref<1x64x128xf32, #tpu.memory_space<vmem>>
      %dma_wait3A_1565 = tpu.memref_squeeze %dma_wait3A_1564 : memref<1x64x128xf32, #tpu.memory_space<vmem>> -> memref<64x128xf32, #tpu.memory_space<vmem>>
      tpu.wait_dma2 semaphore(%arg25 : memref<!tpu.dma_semaphore, #tpu.memory_space<semaphore_mem>>) src(%dma_wait3A_1565 : memref<64x128xf32, #tpu.memory_space<vmem>>) dst(%dma_wait3A_1561 : memref<64x128xf32, #tpu.memory_space<hbm>>)
      %add3A_1566 = arith.constant 10 : i32
      %add3A_1567 = arith.addi %mul3A_578, %add3A_1566 : i32
      %add3A_1568 = arith.constant 8 : i32
      %add3A_1569 = arith.addi %add3A_1567, %add3A_1568 : i32
      %dma_start3A_1570 = arith.constant 8 : i32
      %dma_start3A_1571 = arith.constant 0 : i32
      %dma_start3A_1572 = arith.constant 0 : i32
      %dma_start3A_1573 = tpu.memref_slice %arg6[%dma_start3A_1570, %dma_start3A_1571, %dma_start3A_1572] : memref<10x64x128xf32, #tpu.memory_space<vmem>> -> memref<1x64x128xf32, #tpu.memory_space<vmem>>
      %dma_start3A_1574 = tpu.memref_squeeze %dma_start3A_1573 : memref<1x64x128xf32, #tpu.memory_space<vmem>> -> memref<64x128xf32, #tpu.memory_space<vmem>>
      %dma_start3A_1575 = arith.constant 0 : i32
      %dma_start3A_1576 = tpu.memref_slice %arg5[%add3A_1569, %dma_start3A_1575] : memref<100x64xi32, #tpu.memory_space<vmem>> -> memref<1x64xi32, #tpu.memory_space<vmem>>
      %dma_start3A_1577 = tpu.memref_squeeze %dma_start3A_1576 : memref<1x64xi32, #tpu.memory_space<vmem>> -> memref<64xi32, #tpu.memory_space<vmem>>
      %dma_start3A_1578 = arith.constant 0 : i32
      %dma_start3A_1579 = arith.constant 0 : i32
      %dma_start3A_1580 = tpu.memref_slice %arg3[%dma_start3A_1578, %dma_start3A_1579] : memref<100000x128xf32, #tpu.memory_space<hbm>> -> memref<100000x128xf32, #tpu.memory_space<hbm>>
      tpu.enqueue_indirect_dma source(%dma_start3A_1580 : memref<100000x128xf32, #tpu.memory_space<hbm>>) target(%dma_start3A_1574 : memref<64x128xf32, #tpu.memory_space<vmem>>) offsets(%dma_start3A_1577 : memref<64xi32, #tpu.memory_space<vmem>>) semaphore(%arg15 : memref<!tpu.dma_semaphore, #tpu.memory_space<semaphore_mem>>)
      %dma_wait3A_1581 = arith.constant 9 : i32
      %dma_wait3A_1582 = arith.constant 0 : i32
      %dma_wait3A_1583 = arith.constant 0 : i32
      %dma_wait3A_1584 = tpu.memref_slice %arg6[%dma_wait3A_1581, %dma_wait3A_1582, %dma_wait3A_1583] : memref<10x64x128xf32, #tpu.memory_space<vmem>> -> memref<1x64x128xf32, #tpu.memory_space<vmem>>
      %dma_wait3A_1585 = tpu.memref_squeeze %dma_wait3A_1584 : memref<1x64x128xf32, #tpu.memory_space<vmem>> -> memref<64x128xf32, #tpu.memory_space<vmem>>
      %dma_wait3A_1586 = arith.constant 0 : i32
      %dma_wait3A_1587 = tpu.memref_slice %arg4[%mul3A_2, %dma_wait3A_1586] : memref<204800x128xf32, #tpu.memory_space<hbm>> -> memref<64x128xf32, #tpu.memory_space<hbm>>
      %dma_wait3A_1588 = arith.constant 0 : i32
      %dma_wait3A_1589 = tpu.memref_slice %arg4[%mul3A_2, %dma_wait3A_1588] : memref<204800x128xf32, #tpu.memory_space<hbm>> -> memref<64x128xf32, #tpu.memory_space<hbm>>
      %dma_wait3A_1590 = arith.constant 0 : i32
      %dma_wait3A_1591 = arith.constant 0 : i32
      %dma_wait3A_1592 = tpu.memref_slice %arg6[%dma_wait3A_1581, %dma_wait3A_1590, %dma_wait3A_1591] : memref<10x64x128xf32, #tpu.memory_space<vmem>> -> memref<1x64x128xf32, #tpu.memory_space<vmem>>
      %dma_wait3A_1593 = tpu.memref_squeeze %dma_wait3A_1592 : memref<1x64x128xf32, #tpu.memory_space<vmem>> -> memref<64x128xf32, #tpu.memory_space<vmem>>
      tpu.wait_dma2 semaphore(%arg26 : memref<!tpu.dma_semaphore, #tpu.memory_space<semaphore_mem>>) src(%dma_wait3A_1593 : memref<64x128xf32, #tpu.memory_space<vmem>>) dst(%dma_wait3A_1589 : memref<64x128xf32, #tpu.memory_space<hbm>>)
      %add3A_1594 = arith.constant 10 : i32
      %add3A_1595 = arith.addi %mul3A_578, %add3A_1594 : i32
      %add3A_1596 = arith.constant 9 : i32
      %add3A_1597 = arith.addi %add3A_1595, %add3A_1596 : i32
      %dma_start3A_1598 = arith.constant 9 : i32
      %dma_start3A_1599 = arith.constant 0 : i32
      %dma_start3A_1600 = arith.constant 0 : i32
      %dma_start3A_1601 = tpu.memref_slice %arg6[%dma_start3A_1598, %dma_start3A_1599, %dma_start3A_1600] : memref<10x64x128xf32, #tpu.memory_space<vmem>> -> memref<1x64x128xf32, #tpu.memory_space<vmem>>
      %dma_start3A_1602 = tpu.memref_squeeze %dma_start3A_1601 : memref<1x64x128xf32, #tpu.memory_space<vmem>> -> memref<64x128xf32, #tpu.memory_space<vmem>>
      %dma_start3A_1603 = arith.constant 0 : i32
      %dma_start3A_1604 = tpu.memref_slice %arg5[%add3A_1597, %dma_start3A_1603] : memref<100x64xi32, #tpu.memory_space<vmem>> -> memref<1x64xi32, #tpu.memory_space<vmem>>
      %dma_start3A_1605 = tpu.memref_squeeze %dma_start3A_1604 : memref<1x64xi32, #tpu.memory_space<vmem>> -> memref<64xi32, #tpu.memory_space<vmem>>
      %dma_start3A_1606 = arith.constant 0 : i32
      %dma_start3A_1607 = arith.constant 0 : i32
      %dma_start3A_1608 = tpu.memref_slice %arg3[%dma_start3A_1606, %dma_start3A_1607] : memref<100000x128xf32, #tpu.memory_space<hbm>> -> memref<100000x128xf32, #tpu.memory_space<hbm>>
      tpu.enqueue_indirect_dma source(%dma_start3A_1608 : memref<100000x128xf32, #tpu.memory_space<hbm>>) target(%dma_start3A_1602 : memref<64x128xf32, #tpu.memory_space<vmem>>) offsets(%dma_start3A_1605 : memref<64xi32, #tpu.memory_space<vmem>>) semaphore(%arg16 : memref<!tpu.dma_semaphore, #tpu.memory_space<semaphore_mem>>)
    }
    %scan3A_126 = arith.constant 9 : i32
    %dma_wait3A = arith.constant 0 : i32
    %dma_wait3A_127 = arith.constant 0 : i32
    %dma_wait3A_128 = arith.constant 0 : i32
    %dma_wait3A_129 = tpu.memref_slice %arg6[%dma_wait3A, %dma_wait3A_127, %dma_wait3A_128] : memref<10x64x128xf32, #tpu.memory_space<vmem>> -> memref<1x64x128xf32, #tpu.memory_space<vmem>>
    %dma_wait3A_130 = tpu.memref_squeeze %dma_wait3A_129 : memref<1x64x128xf32, #tpu.memory_space<vmem>> -> memref<64x128xf32, #tpu.memory_space<vmem>>
    %dma_wait3A_131 = arith.constant 0 : i32
    %dma_wait3A_132 = arith.constant 0 : i32
    %dma_wait3A_133 = tpu.memref_slice %arg3[%dma_wait3A_131, %dma_wait3A_132] : memref<100000x128xf32, #tpu.memory_space<hbm>> -> memref<64x128xf32, #tpu.memory_space<hbm>>
    %dma_wait3A_134 = arith.constant 0 : i32
    %dma_wait3A_135 = arith.constant 0 : i32
    %dma_wait3A_136 = tpu.memref_slice %arg6[%dma_wait3A, %dma_wait3A_134, %dma_wait3A_135] : memref<10x64x128xf32, #tpu.memory_space<vmem>> -> memref<1x64x128xf32, #tpu.memory_space<vmem>>
    %dma_wait3A_137 = tpu.memref_squeeze %dma_wait3A_136 : memref<1x64x128xf32, #tpu.memory_space<vmem>> -> memref<64x128xf32, #tpu.memory_space<vmem>>
    %dma_wait3A_138 = arith.constant 0 : i32
    %dma_wait3A_139 = arith.constant 0 : i32
    %dma_wait3A_140 = tpu.memref_slice %arg3[%dma_wait3A_138, %dma_wait3A_139] : memref<100000x128xf32, #tpu.memory_space<hbm>> -> memref<64x128xf32, #tpu.memory_space<hbm>>
    tpu.wait_dma2 semaphore(%arg7 : memref<!tpu.dma_semaphore, #tpu.memory_space<semaphore_mem>>) src(%dma_wait3A_140 : memref<64x128xf32, #tpu.memory_space<hbm>>) dst(%dma_wait3A_137 : memref<64x128xf32, #tpu.memory_space<vmem>>)
    %add3A_141 = arith.constant 184320 : i32
    %add3A_142 = arith.addi %add3A_141, %mul3A_2 : i32
    %add3A_143 = arith.constant 0 : i32
    %add3A_144 = arith.addi %add3A_142, %add3A_143 : i32
    %dma_start3A_145 = arith.constant 0 : i32
    %dma_start3A_146 = arith.constant 0 : i32
    %dma_start3A_147 = arith.constant 0 : i32
    %dma_start3A_148 = tpu.memref_slice %arg6[%dma_start3A_145, %dma_start3A_146, %dma_start3A_147] : memref<10x64x128xf32, #tpu.memory_space<vmem>> -> memref<1x64x128xf32, #tpu.memory_space<vmem>>
    %dma_start3A_149 = tpu.memref_squeeze %dma_start3A_148 : memref<1x64x128xf32, #tpu.memory_space<vmem>> -> memref<64x128xf32, #tpu.memory_space<vmem>>
    %dma_start3A_150 = arith.constant 0 : i32
    %dma_start3A_151 = tpu.memref_slice %arg4[%add3A_144, %dma_start3A_150] : memref<204800x128xf32, #tpu.memory_space<hbm>> -> memref<64x128xf32, #tpu.memory_space<hbm>>
    %dma_start3A_152 = arith.constant 0 : i32
    %dma_start3A_153 = tpu.memref_slice %arg4[%add3A_144, %dma_start3A_152] : memref<204800x128xf32, #tpu.memory_space<hbm>> -> memref<64x128xf32, #tpu.memory_space<hbm>>
    %dma_start3A_154 = arith.constant 0 : i32
    %dma_start3A_155 = arith.constant 0 : i32
    %dma_start3A_156 = tpu.memref_slice %arg6[%dma_start3A_145, %dma_start3A_154, %dma_start3A_155] : memref<10x64x128xf32, #tpu.memory_space<vmem>> -> memref<1x64x128xf32, #tpu.memory_space<vmem>>
    %dma_start3A_157 = tpu.memref_squeeze %dma_start3A_156 : memref<1x64x128xf32, #tpu.memory_space<vmem>> -> memref<64x128xf32, #tpu.memory_space<vmem>>
    tpu.enqueue_dma source(%dma_start3A_157 : memref<64x128xf32, #tpu.memory_space<vmem>>) target(%dma_start3A_153 : memref<64x128xf32, #tpu.memory_space<hbm>>) target_semaphore(%arg17 : memref<!tpu.dma_semaphore, #tpu.memory_space<semaphore_mem>>)
    %dma_wait3A_158 = arith.constant 1 : i32
    %dma_wait3A_159 = arith.constant 0 : i32
    %dma_wait3A_160 = arith.constant 0 : i32
    %dma_wait3A_161 = tpu.memref_slice %arg6[%dma_wait3A_158, %dma_wait3A_159, %dma_wait3A_160] : memref<10x64x128xf32, #tpu.memory_space<vmem>> -> memref<1x64x128xf32, #tpu.memory_space<vmem>>
    %dma_wait3A_162 = tpu.memref_squeeze %dma_wait3A_161 : memref<1x64x128xf32, #tpu.memory_space<vmem>> -> memref<64x128xf32, #tpu.memory_space<vmem>>
    %dma_wait3A_163 = arith.constant 0 : i32
    %dma_wait3A_164 = arith.constant 0 : i32
    %dma_wait3A_165 = tpu.memref_slice %arg3[%dma_wait3A_163, %dma_wait3A_164] : memref<100000x128xf32, #tpu.memory_space<hbm>> -> memref<64x128xf32, #tpu.memory_space<hbm>>
    %dma_wait3A_166 = arith.constant 0 : i32
    %dma_wait3A_167 = arith.constant 0 : i32
    %dma_wait3A_168 = tpu.memref_slice %arg6[%dma_wait3A_158, %dma_wait3A_166, %dma_wait3A_167] : memref<10x64x128xf32, #tpu.memory_space<vmem>> -> memref<1x64x128xf32, #tpu.memory_space<vmem>>
    %dma_wait3A_169 = tpu.memref_squeeze %dma_wait3A_168 : memref<1x64x128xf32, #tpu.memory_space<vmem>> -> memref<64x128xf32, #tpu.memory_space<vmem>>
    %dma_wait3A_170 = arith.constant 0 : i32
    %dma_wait3A_171 = arith.constant 0 : i32
    %dma_wait3A_172 = tpu.memref_slice %arg3[%dma_wait3A_170, %dma_wait3A_171] : memref<100000x128xf32, #tpu.memory_space<hbm>> -> memref<64x128xf32, #tpu.memory_space<hbm>>
    tpu.wait_dma2 semaphore(%arg8 : memref<!tpu.dma_semaphore, #tpu.memory_space<semaphore_mem>>) src(%dma_wait3A_172 : memref<64x128xf32, #tpu.memory_space<hbm>>) dst(%dma_wait3A_169 : memref<64x128xf32, #tpu.memory_space<vmem>>)
    %add3A_173 = arith.constant 184320 : i32
    %add3A_174 = arith.addi %add3A_173, %mul3A_2 : i32
    %add3A_175 = arith.constant 64 : i32
    %add3A_176 = arith.addi %add3A_174, %add3A_175 : i32
    %dma_start3A_177 = arith.constant 1 : i32
    %dma_start3A_178 = arith.constant 0 : i32
    %dma_start3A_179 = arith.constant 0 : i32
    %dma_start3A_180 = tpu.memref_slice %arg6[%dma_start3A_177, %dma_start3A_178, %dma_start3A_179] : memref<10x64x128xf32, #tpu.memory_space<vmem>> -> memref<1x64x128xf32, #tpu.memory_space<vmem>>
    %dma_start3A_181 = tpu.memref_squeeze %dma_start3A_180 : memref<1x64x128xf32, #tpu.memory_space<vmem>> -> memref<64x128xf32, #tpu.memory_space<vmem>>
    %dma_start3A_182 = arith.constant 0 : i32
    %dma_start3A_183 = tpu.memref_slice %arg4[%add3A_176, %dma_start3A_182] : memref<204800x128xf32, #tpu.memory_space<hbm>> -> memref<64x128xf32, #tpu.memory_space<hbm>>
    %dma_start3A_184 = arith.constant 0 : i32
    %dma_start3A_185 = tpu.memref_slice %arg4[%add3A_176, %dma_start3A_184] : memref<204800x128xf32, #tpu.memory_space<hbm>> -> memref<64x128xf32, #tpu.memory_space<hbm>>
    %dma_start3A_186 = arith.constant 0 : i32
    %dma_start3A_187 = arith.constant 0 : i32
    %dma_start3A_188 = tpu.memref_slice %arg6[%dma_start3A_177, %dma_start3A_186, %dma_start3A_187] : memref<10x64x128xf32, #tpu.memory_space<vmem>> -> memref<1x64x128xf32, #tpu.memory_space<vmem>>
    %dma_start3A_189 = tpu.memref_squeeze %dma_start3A_188 : memref<1x64x128xf32, #tpu.memory_space<vmem>> -> memref<64x128xf32, #tpu.memory_space<vmem>>
    tpu.enqueue_dma source(%dma_start3A_189 : memref<64x128xf32, #tpu.memory_space<vmem>>) target(%dma_start3A_185 : memref<64x128xf32, #tpu.memory_space<hbm>>) target_semaphore(%arg18 : memref<!tpu.dma_semaphore, #tpu.memory_space<semaphore_mem>>)
    %dma_wait3A_190 = arith.constant 2 : i32
    %dma_wait3A_191 = arith.constant 0 : i32
    %dma_wait3A_192 = arith.constant 0 : i32
    %dma_wait3A_193 = tpu.memref_slice %arg6[%dma_wait3A_190, %dma_wait3A_191, %dma_wait3A_192] : memref<10x64x128xf32, #tpu.memory_space<vmem>> -> memref<1x64x128xf32, #tpu.memory_space<vmem>>
    %dma_wait3A_194 = tpu.memref_squeeze %dma_wait3A_193 : memref<1x64x128xf32, #tpu.memory_space<vmem>> -> memref<64x128xf32, #tpu.memory_space<vmem>>
    %dma_wait3A_195 = arith.constant 0 : i32
    %dma_wait3A_196 = arith.constant 0 : i32
    %dma_wait3A_197 = tpu.memref_slice %arg3[%dma_wait3A_195, %dma_wait3A_196] : memref<100000x128xf32, #tpu.memory_space<hbm>> -> memref<64x128xf32, #tpu.memory_space<hbm>>
    %dma_wait3A_198 = arith.constant 0 : i32
    %dma_wait3A_199 = arith.constant 0 : i32
    %dma_wait3A_200 = tpu.memref_slice %arg6[%dma_wait3A_190, %dma_wait3A_198, %dma_wait3A_199] : memref<10x64x128xf32, #tpu.memory_space<vmem>> -> memref<1x64x128xf32, #tpu.memory_space<vmem>>
    %dma_wait3A_201 = tpu.memref_squeeze %dma_wait3A_200 : memref<1x64x128xf32, #tpu.memory_space<vmem>> -> memref<64x128xf32, #tpu.memory_space<vmem>>
    %dma_wait3A_202 = arith.constant 0 : i32
    %dma_wait3A_203 = arith.constant 0 : i32
    %dma_wait3A_204 = tpu.memref_slice %arg3[%dma_wait3A_202, %dma_wait3A_203] : memref<100000x128xf32, #tpu.memory_space<hbm>> -> memref<64x128xf32, #tpu.memory_space<hbm>>
    tpu.wait_dma2 semaphore(%arg9 : memref<!tpu.dma_semaphore, #tpu.memory_space<semaphore_mem>>) src(%dma_wait3A_204 : memref<64x128xf32, #tpu.memory_space<hbm>>) dst(%dma_wait3A_201 : memref<64x128xf32, #tpu.memory_space<vmem>>)
    %add3A_205 = arith.constant 188416 : i32
    %add3A_206 = arith.addi %add3A_205, %mul3A_2 : i32
    %add3A_207 = arith.constant 0 : i32
    %add3A_208 = arith.addi %add3A_206, %add3A_207 : i32
    %dma_start3A_209 = arith.constant 2 : i32
    %dma_start3A_210 = arith.constant 0 : i32
    %dma_start3A_211 = arith.constant 0 : i32
    %dma_start3A_212 = tpu.memref_slice %arg6[%dma_start3A_209, %dma_start3A_210, %dma_start3A_211] : memref<10x64x128xf32, #tpu.memory_space<vmem>> -> memref<1x64x128xf32, #tpu.memory_space<vmem>>
    %dma_start3A_213 = tpu.memref_squeeze %dma_start3A_212 : memref<1x64x128xf32, #tpu.memory_space<vmem>> -> memref<64x128xf32, #tpu.memory_space<vmem>>
    %dma_start3A_214 = arith.constant 0 : i32
    %dma_start3A_215 = tpu.memref_slice %arg4[%add3A_208, %dma_start3A_214] : memref<204800x128xf32, #tpu.memory_space<hbm>> -> memref<64x128xf32, #tpu.memory_space<hbm>>
    %dma_start3A_216 = arith.constant 0 : i32
    %dma_start3A_217 = tpu.memref_slice %arg4[%add3A_208, %dma_start3A_216] : memref<204800x128xf32, #tpu.memory_space<hbm>> -> memref<64x128xf32, #tpu.memory_space<hbm>>
    %dma_start3A_218 = arith.constant 0 : i32
    %dma_start3A_219 = arith.constant 0 : i32
    %dma_start3A_220 = tpu.memref_slice %arg6[%dma_start3A_209, %dma_start3A_218, %dma_start3A_219] : memref<10x64x128xf32, #tpu.memory_space<vmem>> -> memref<1x64x128xf32, #tpu.memory_space<vmem>>
    %dma_start3A_221 = tpu.memref_squeeze %dma_start3A_220 : memref<1x64x128xf32, #tpu.memory_space<vmem>> -> memref<64x128xf32, #tpu.memory_space<vmem>>
    tpu.enqueue_dma source(%dma_start3A_221 : memref<64x128xf32, #tpu.memory_space<vmem>>) target(%dma_start3A_217 : memref<64x128xf32, #tpu.memory_space<hbm>>) target_semaphore(%arg19 : memref<!tpu.dma_semaphore, #tpu.memory_space<semaphore_mem>>)
    %dma_wait3A_222 = arith.constant 3 : i32
    %dma_wait3A_223 = arith.constant 0 : i32
    %dma_wait3A_224 = arith.constant 0 : i32
    %dma_wait3A_225 = tpu.memref_slice %arg6[%dma_wait3A_222, %dma_wait3A_223, %dma_wait3A_224] : memref<10x64x128xf32, #tpu.memory_space<vmem>> -> memref<1x64x128xf32, #tpu.memory_space<vmem>>
    %dma_wait3A_226 = tpu.memref_squeeze %dma_wait3A_225 : memref<1x64x128xf32, #tpu.memory_space<vmem>> -> memref<64x128xf32, #tpu.memory_space<vmem>>
    %dma_wait3A_227 = arith.constant 0 : i32
    %dma_wait3A_228 = arith.constant 0 : i32
    %dma_wait3A_229 = tpu.memref_slice %arg3[%dma_wait3A_227, %dma_wait3A_228] : memref<100000x128xf32, #tpu.memory_space<hbm>> -> memref<64x128xf32, #tpu.memory_space<hbm>>
    %dma_wait3A_230 = arith.constant 0 : i32
    %dma_wait3A_231 = arith.constant 0 : i32
    %dma_wait3A_232 = tpu.memref_slice %arg6[%dma_wait3A_222, %dma_wait3A_230, %dma_wait3A_231] : memref<10x64x128xf32, #tpu.memory_space<vmem>> -> memref<1x64x128xf32, #tpu.memory_space<vmem>>
    %dma_wait3A_233 = tpu.memref_squeeze %dma_wait3A_232 : memref<1x64x128xf32, #tpu.memory_space<vmem>> -> memref<64x128xf32, #tpu.memory_space<vmem>>
    %dma_wait3A_234 = arith.constant 0 : i32
    %dma_wait3A_235 = arith.constant 0 : i32
    %dma_wait3A_236 = tpu.memref_slice %arg3[%dma_wait3A_234, %dma_wait3A_235] : memref<100000x128xf32, #tpu.memory_space<hbm>> -> memref<64x128xf32, #tpu.memory_space<hbm>>
    tpu.wait_dma2 semaphore(%arg10 : memref<!tpu.dma_semaphore, #tpu.memory_space<semaphore_mem>>) src(%dma_wait3A_236 : memref<64x128xf32, #tpu.memory_space<hbm>>) dst(%dma_wait3A_233 : memref<64x128xf32, #tpu.memory_space<vmem>>)
    %add3A_237 = arith.constant 188416 : i32
    %add3A_238 = arith.addi %add3A_237, %mul3A_2 : i32
    %add3A_239 = arith.constant 64 : i32
    %add3A_240 = arith.addi %add3A_238, %add3A_239 : i32
    %dma_start3A_241 = arith.constant 3 : i32
    %dma_start3A_242 = arith.constant 0 : i32
    %dma_start3A_243 = arith.constant 0 : i32
    %dma_start3A_244 = tpu.memref_slice %arg6[%dma_start3A_241, %dma_start3A_242, %dma_start3A_243] : memref<10x64x128xf32, #tpu.memory_space<vmem>> -> memref<1x64x128xf32, #tpu.memory_space<vmem>>
    %dma_start3A_245 = tpu.memref_squeeze %dma_start3A_244 : memref<1x64x128xf32, #tpu.memory_space<vmem>> -> memref<64x128xf32, #tpu.memory_space<vmem>>
    %dma_start3A_246 = arith.constant 0 : i32
    %dma_start3A_247 = tpu.memref_slice %arg4[%add3A_240, %dma_start3A_246] : memref<204800x128xf32, #tpu.memory_space<hbm>> -> memref<64x128xf32, #tpu.memory_space<hbm>>
    %dma_start3A_248 = arith.constant 0 : i32
    %dma_start3A_249 = tpu.memref_slice %arg4[%add3A_240, %dma_start3A_248] : memref<204800x128xf32, #tpu.memory_space<hbm>> -> memref<64x128xf32, #tpu.memory_space<hbm>>
    %dma_start3A_250 = arith.constant 0 : i32
    %dma_start3A_251 = arith.constant 0 : i32
    %dma_start3A_252 = tpu.memref_slice %arg6[%dma_start3A_241, %dma_start3A_250, %dma_start3A_251] : memref<10x64x128xf32, #tpu.memory_space<vmem>> -> memref<1x64x128xf32, #tpu.memory_space<vmem>>
    %dma_start3A_253 = tpu.memref_squeeze %dma_start3A_252 : memref<1x64x128xf32, #tpu.memory_space<vmem>> -> memref<64x128xf32, #tpu.memory_space<vmem>>
    tpu.enqueue_dma source(%dma_start3A_253 : memref<64x128xf32, #tpu.memory_space<vmem>>) target(%dma_start3A_249 : memref<64x128xf32, #tpu.memory_space<hbm>>) target_semaphore(%arg20 : memref<!tpu.dma_semaphore, #tpu.memory_space<semaphore_mem>>)
    %dma_wait3A_254 = arith.constant 4 : i32
    %dma_wait3A_255 = arith.constant 0 : i32
    %dma_wait3A_256 = arith.constant 0 : i32
    %dma_wait3A_257 = tpu.memref_slice %arg6[%dma_wait3A_254, %dma_wait3A_255, %dma_wait3A_256] : memref<10x64x128xf32, #tpu.memory_space<vmem>> -> memref<1x64x128xf32, #tpu.memory_space<vmem>>
    %dma_wait3A_258 = tpu.memref_squeeze %dma_wait3A_257 : memref<1x64x128xf32, #tpu.memory_space<vmem>> -> memref<64x128xf32, #tpu.memory_space<vmem>>
    %dma_wait3A_259 = arith.constant 0 : i32
    %dma_wait3A_260 = arith.constant 0 : i32
    %dma_wait3A_261 = tpu.memref_slice %arg3[%dma_wait3A_259, %dma_wait3A_260] : memref<100000x128xf32, #tpu.memory_space<hbm>> -> memref<64x128xf32, #tpu.memory_space<hbm>>
    %dma_wait3A_262 = arith.constant 0 : i32
    %dma_wait3A_263 = arith.constant 0 : i32
    %dma_wait3A_264 = tpu.memref_slice %arg6[%dma_wait3A_254, %dma_wait3A_262, %dma_wait3A_263] : memref<10x64x128xf32, #tpu.memory_space<vmem>> -> memref<1x64x128xf32, #tpu.memory_space<vmem>>
    %dma_wait3A_265 = tpu.memref_squeeze %dma_wait3A_264 : memref<1x64x128xf32, #tpu.memory_space<vmem>> -> memref<64x128xf32, #tpu.memory_space<vmem>>
    %dma_wait3A_266 = arith.constant 0 : i32
    %dma_wait3A_267 = arith.constant 0 : i32
    %dma_wait3A_268 = tpu.memref_slice %arg3[%dma_wait3A_266, %dma_wait3A_267] : memref<100000x128xf32, #tpu.memory_space<hbm>> -> memref<64x128xf32, #tpu.memory_space<hbm>>
    tpu.wait_dma2 semaphore(%arg11 : memref<!tpu.dma_semaphore, #tpu.memory_space<semaphore_mem>>) src(%dma_wait3A_268 : memref<64x128xf32, #tpu.memory_space<hbm>>) dst(%dma_wait3A_265 : memref<64x128xf32, #tpu.memory_space<vmem>>)
    %add3A_269 = arith.constant 192512 : i32
    %add3A_270 = arith.addi %add3A_269, %mul3A_2 : i32
    %add3A_271 = arith.constant 0 : i32
    %add3A_272 = arith.addi %add3A_270, %add3A_271 : i32
    %dma_start3A_273 = arith.constant 4 : i32
    %dma_start3A_274 = arith.constant 0 : i32
    %dma_start3A_275 = arith.constant 0 : i32
    %dma_start3A_276 = tpu.memref_slice %arg6[%dma_start3A_273, %dma_start3A_274, %dma_start3A_275] : memref<10x64x128xf32, #tpu.memory_space<vmem>> -> memref<1x64x128xf32, #tpu.memory_space<vmem>>
    %dma_start3A_277 = tpu.memref_squeeze %dma_start3A_276 : memref<1x64x128xf32, #tpu.memory_space<vmem>> -> memref<64x128xf32, #tpu.memory_space<vmem>>
    %dma_start3A_278 = arith.constant 0 : i32
    %dma_start3A_279 = tpu.memref_slice %arg4[%add3A_272, %dma_start3A_278] : memref<204800x128xf32, #tpu.memory_space<hbm>> -> memref<64x128xf32, #tpu.memory_space<hbm>>
    %dma_start3A_280 = arith.constant 0 : i32
    %dma_start3A_281 = tpu.memref_slice %arg4[%add3A_272, %dma_start3A_280] : memref<204800x128xf32, #tpu.memory_space<hbm>> -> memref<64x128xf32, #tpu.memory_space<hbm>>
    %dma_start3A_282 = arith.constant 0 : i32
    %dma_start3A_283 = arith.constant 0 : i32
    %dma_start3A_284 = tpu.memref_slice %arg6[%dma_start3A_273, %dma_start3A_282, %dma_start3A_283] : memref<10x64x128xf32, #tpu.memory_space<vmem>> -> memref<1x64x128xf32, #tpu.memory_space<vmem>>
    %dma_start3A_285 = tpu.memref_squeeze %dma_start3A_284 : memref<1x64x128xf32, #tpu.memory_space<vmem>> -> memref<64x128xf32, #tpu.memory_space<vmem>>
    tpu.enqueue_dma source(%dma_start3A_285 : memref<64x128xf32, #tpu.memory_space<vmem>>) target(%dma_start3A_281 : memref<64x128xf32, #tpu.memory_space<hbm>>) target_semaphore(%arg21 : memref<!tpu.dma_semaphore, #tpu.memory_space<semaphore_mem>>)
    %dma_wait3A_286 = arith.constant 5 : i32
    %dma_wait3A_287 = arith.constant 0 : i32
    %dma_wait3A_288 = arith.constant 0 : i32
    %dma_wait3A_289 = tpu.memref_slice %arg6[%dma_wait3A_286, %dma_wait3A_287, %dma_wait3A_288] : memref<10x64x128xf32, #tpu.memory_space<vmem>> -> memref<1x64x128xf32, #tpu.memory_space<vmem>>
    %dma_wait3A_290 = tpu.memref_squeeze %dma_wait3A_289 : memref<1x64x128xf32, #tpu.memory_space<vmem>> -> memref<64x128xf32, #tpu.memory_space<vmem>>
    %dma_wait3A_291 = arith.constant 0 : i32
    %dma_wait3A_292 = arith.constant 0 : i32
    %dma_wait3A_293 = tpu.memref_slice %arg3[%dma_wait3A_291, %dma_wait3A_292] : memref<100000x128xf32, #tpu.memory_space<hbm>> -> memref<64x128xf32, #tpu.memory_space<hbm>>
    %dma_wait3A_294 = arith.constant 0 : i32
    %dma_wait3A_295 = arith.constant 0 : i32
    %dma_wait3A_296 = tpu.memref_slice %arg6[%dma_wait3A_286, %dma_wait3A_294, %dma_wait3A_295] : memref<10x64x128xf32, #tpu.memory_space<vmem>> -> memref<1x64x128xf32, #tpu.memory_space<vmem>>
    %dma_wait3A_297 = tpu.memref_squeeze %dma_wait3A_296 : memref<1x64x128xf32, #tpu.memory_space<vmem>> -> memref<64x128xf32, #tpu.memory_space<vmem>>
    %dma_wait3A_298 = arith.constant 0 : i32
    %dma_wait3A_299 = arith.constant 0 : i32
    %dma_wait3A_300 = tpu.memref_slice %arg3[%dma_wait3A_298, %dma_wait3A_299] : memref<100000x128xf32, #tpu.memory_space<hbm>> -> memref<64x128xf32, #tpu.memory_space<hbm>>
    tpu.wait_dma2 semaphore(%arg12 : memref<!tpu.dma_semaphore, #tpu.memory_space<semaphore_mem>>) src(%dma_wait3A_300 : memref<64x128xf32, #tpu.memory_space<hbm>>) dst(%dma_wait3A_297 : memref<64x128xf32, #tpu.memory_space<vmem>>)
    %add3A_301 = arith.constant 192512 : i32
    %add3A_302 = arith.addi %add3A_301, %mul3A_2 : i32
    %add3A_303 = arith.constant 64 : i32
    %add3A_304 = arith.addi %add3A_302, %add3A_303 : i32
    %dma_start3A_305 = arith.constant 5 : i32
    %dma_start3A_306 = arith.constant 0 : i32
    %dma_start3A_307 = arith.constant 0 : i32
    %dma_start3A_308 = tpu.memref_slice %arg6[%dma_start3A_305, %dma_start3A_306, %dma_start3A_307] : memref<10x64x128xf32, #tpu.memory_space<vmem>> -> memref<1x64x128xf32, #tpu.memory_space<vmem>>
    %dma_start3A_309 = tpu.memref_squeeze %dma_start3A_308 : memref<1x64x128xf32, #tpu.memory_space<vmem>> -> memref<64x128xf32, #tpu.memory_space<vmem>>
    %dma_start3A_310 = arith.constant 0 : i32
    %dma_start3A_311 = tpu.memref_slice %arg4[%add3A_304, %dma_start3A_310] : memref<204800x128xf32, #tpu.memory_space<hbm>> -> memref<64x128xf32, #tpu.memory_space<hbm>>
    %dma_start3A_312 = arith.constant 0 : i32
    %dma_start3A_313 = tpu.memref_slice %arg4[%add3A_304, %dma_start3A_312] : memref<204800x128xf32, #tpu.memory_space<hbm>> -> memref<64x128xf32, #tpu.memory_space<hbm>>
    %dma_start3A_314 = arith.constant 0 : i32
    %dma_start3A_315 = arith.constant 0 : i32
    %dma_start3A_316 = tpu.memref_slice %arg6[%dma_start3A_305, %dma_start3A_314, %dma_start3A_315] : memref<10x64x128xf32, #tpu.memory_space<vmem>> -> memref<1x64x128xf32, #tpu.memory_space<vmem>>
    %dma_start3A_317 = tpu.memref_squeeze %dma_start3A_316 : memref<1x64x128xf32, #tpu.memory_space<vmem>> -> memref<64x128xf32, #tpu.memory_space<vmem>>
    tpu.enqueue_dma source(%dma_start3A_317 : memref<64x128xf32, #tpu.memory_space<vmem>>) target(%dma_start3A_313 : memref<64x128xf32, #tpu.memory_space<hbm>>) target_semaphore(%arg22 : memref<!tpu.dma_semaphore, #tpu.memory_space<semaphore_mem>>)
    %dma_wait3A_318 = arith.constant 6 : i32
    %dma_wait3A_319 = arith.constant 0 : i32
    %dma_wait3A_320 = arith.constant 0 : i32
    %dma_wait3A_321 = tpu.memref_slice %arg6[%dma_wait3A_318, %dma_wait3A_319, %dma_wait3A_320] : memref<10x64x128xf32, #tpu.memory_space<vmem>> -> memref<1x64x128xf32, #tpu.memory_space<vmem>>
    %dma_wait3A_322 = tpu.memref_squeeze %dma_wait3A_321 : memref<1x64x128xf32, #tpu.memory_space<vmem>> -> memref<64x128xf32, #tpu.memory_space<vmem>>
    %dma_wait3A_323 = arith.constant 0 : i32
    %dma_wait3A_324 = arith.constant 0 : i32
    %dma_wait3A_325 = tpu.memref_slice %arg3[%dma_wait3A_323, %dma_wait3A_324] : memref<100000x128xf32, #tpu.memory_space<hbm>> -> memref<64x128xf32, #tpu.memory_space<hbm>>
    %dma_wait3A_326 = arith.constant 0 : i32
    %dma_wait3A_327 = arith.constant 0 : i32
    %dma_wait3A_328 = tpu.memref_slice %arg6[%dma_wait3A_318, %dma_wait3A_326, %dma_wait3A_327] : memref<10x64x128xf32, #tpu.memory_space<vmem>> -> memref<1x64x128xf32, #tpu.memory_space<vmem>>
    %dma_wait3A_329 = tpu.memref_squeeze %dma_wait3A_328 : memref<1x64x128xf32, #tpu.memory_space<vmem>> -> memref<64x128xf32, #tpu.memory_space<vmem>>
    %dma_wait3A_330 = arith.constant 0 : i32
    %dma_wait3A_331 = arith.constant 0 : i32
    %dma_wait3A_332 = tpu.memref_slice %arg3[%dma_wait3A_330, %dma_wait3A_331] : memref<100000x128xf32, #tpu.memory_space<hbm>> -> memref<64x128xf32, #tpu.memory_space<hbm>>
    tpu.wait_dma2 semaphore(%arg13 : memref<!tpu.dma_semaphore, #tpu.memory_space<semaphore_mem>>) src(%dma_wait3A_332 : memref<64x128xf32, #tpu.memory_space<hbm>>) dst(%dma_wait3A_329 : memref<64x128xf32, #tpu.memory_space<vmem>>)
    %add3A_333 = arith.constant 196608 : i32
    %add3A_334 = arith.addi %add3A_333, %mul3A_2 : i32
    %add3A_335 = arith.constant 0 : i32
    %add3A_336 = arith.addi %add3A_334, %add3A_335 : i32
    %dma_start3A_337 = arith.constant 6 : i32
    %dma_start3A_338 = arith.constant 0 : i32
    %dma_start3A_339 = arith.constant 0 : i32
    %dma_start3A_340 = tpu.memref_slice %arg6[%dma_start3A_337, %dma_start3A_338, %dma_start3A_339] : memref<10x64x128xf32, #tpu.memory_space<vmem>> -> memref<1x64x128xf32, #tpu.memory_space<vmem>>
    %dma_start3A_341 = tpu.memref_squeeze %dma_start3A_340 : memref<1x64x128xf32, #tpu.memory_space<vmem>> -> memref<64x128xf32, #tpu.memory_space<vmem>>
    %dma_start3A_342 = arith.constant 0 : i32
    %dma_start3A_343 = tpu.memref_slice %arg4[%add3A_336, %dma_start3A_342] : memref<204800x128xf32, #tpu.memory_space<hbm>> -> memref<64x128xf32, #tpu.memory_space<hbm>>
    %dma_start3A_344 = arith.constant 0 : i32
    %dma_start3A_345 = tpu.memref_slice %arg4[%add3A_336, %dma_start3A_344] : memref<204800x128xf32, #tpu.memory_space<hbm>> -> memref<64x128xf32, #tpu.memory_space<hbm>>
    %dma_start3A_346 = arith.constant 0 : i32
    %dma_start3A_347 = arith.constant 0 : i32
    %dma_start3A_348 = tpu.memref_slice %arg6[%dma_start3A_337, %dma_start3A_346, %dma_start3A_347] : memref<10x64x128xf32, #tpu.memory_space<vmem>> -> memref<1x64x128xf32, #tpu.memory_space<vmem>>
    %dma_start3A_349 = tpu.memref_squeeze %dma_start3A_348 : memref<1x64x128xf32, #tpu.memory_space<vmem>> -> memref<64x128xf32, #tpu.memory_space<vmem>>
    tpu.enqueue_dma source(%dma_start3A_349 : memref<64x128xf32, #tpu.memory_space<vmem>>) target(%dma_start3A_345 : memref<64x128xf32, #tpu.memory_space<hbm>>) target_semaphore(%arg23 : memref<!tpu.dma_semaphore, #tpu.memory_space<semaphore_mem>>)
    %dma_wait3A_350 = arith.constant 7 : i32
    %dma_wait3A_351 = arith.constant 0 : i32
    %dma_wait3A_352 = arith.constant 0 : i32
    %dma_wait3A_353 = tpu.memref_slice %arg6[%dma_wait3A_350, %dma_wait3A_351, %dma_wait3A_352] : memref<10x64x128xf32, #tpu.memory_space<vmem>> -> memref<1x64x128xf32, #tpu.memory_space<vmem>>
    %dma_wait3A_354 = tpu.memref_squeeze %dma_wait3A_353 : memref<1x64x128xf32, #tpu.memory_space<vmem>> -> memref<64x128xf32, #tpu.memory_space<vmem>>
    %dma_wait3A_355 = arith.constant 0 : i32
    %dma_wait3A_356 = arith.constant 0 : i32
    %dma_wait3A_357 = tpu.memref_slice %arg3[%dma_wait3A_355, %dma_wait3A_356] : memref<100000x128xf32, #tpu.memory_space<hbm>> -> memref<64x128xf32, #tpu.memory_space<hbm>>
    %dma_wait3A_358 = arith.constant 0 : i32
    %dma_wait3A_359 = arith.constant 0 : i32
    %dma_wait3A_360 = tpu.memref_slice %arg6[%dma_wait3A_350, %dma_wait3A_358, %dma_wait3A_359] : memref<10x64x128xf32, #tpu.memory_space<vmem>> -> memref<1x64x128xf32, #tpu.memory_space<vmem>>
    %dma_wait3A_361 = tpu.memref_squeeze %dma_wait3A_360 : memref<1x64x128xf32, #tpu.memory_space<vmem>> -> memref<64x128xf32, #tpu.memory_space<vmem>>
    %dma_wait3A_362 = arith.constant 0 : i32
    %dma_wait3A_363 = arith.constant 0 : i32
    %dma_wait3A_364 = tpu.memref_slice %arg3[%dma_wait3A_362, %dma_wait3A_363] : memref<100000x128xf32, #tpu.memory_space<hbm>> -> memref<64x128xf32, #tpu.memory_space<hbm>>
    tpu.wait_dma2 semaphore(%arg14 : memref<!tpu.dma_semaphore, #tpu.memory_space<semaphore_mem>>) src(%dma_wait3A_364 : memref<64x128xf32, #tpu.memory_space<hbm>>) dst(%dma_wait3A_361 : memref<64x128xf32, #tpu.memory_space<vmem>>)
    %add3A_365 = arith.constant 196608 : i32
    %add3A_366 = arith.addi %add3A_365, %mul3A_2 : i32
    %add3A_367 = arith.constant 64 : i32
    %add3A_368 = arith.addi %add3A_366, %add3A_367 : i32
    %dma_start3A_369 = arith.constant 7 : i32
    %dma_start3A_370 = arith.constant 0 : i32
    %dma_start3A_371 = arith.constant 0 : i32
    %dma_start3A_372 = tpu.memref_slice %arg6[%dma_start3A_369, %dma_start3A_370, %dma_start3A_371] : memref<10x64x128xf32, #tpu.memory_space<vmem>> -> memref<1x64x128xf32, #tpu.memory_space<vmem>>
    %dma_start3A_373 = tpu.memref_squeeze %dma_start3A_372 : memref<1x64x128xf32, #tpu.memory_space<vmem>> -> memref<64x128xf32, #tpu.memory_space<vmem>>
    %dma_start3A_374 = arith.constant 0 : i32
    %dma_start3A_375 = tpu.memref_slice %arg4[%add3A_368, %dma_start3A_374] : memref<204800x128xf32, #tpu.memory_space<hbm>> -> memref<64x128xf32, #tpu.memory_space<hbm>>
    %dma_start3A_376 = arith.constant 0 : i32
    %dma_start3A_377 = tpu.memref_slice %arg4[%add3A_368, %dma_start3A_376] : memref<204800x128xf32, #tpu.memory_space<hbm>> -> memref<64x128xf32, #tpu.memory_space<hbm>>
    %dma_start3A_378 = arith.constant 0 : i32
    %dma_start3A_379 = arith.constant 0 : i32
    %dma_start3A_380 = tpu.memref_slice %arg6[%dma_start3A_369, %dma_start3A_378, %dma_start3A_379] : memref<10x64x128xf32, #tpu.memory_space<vmem>> -> memref<1x64x128xf32, #tpu.memory_space<vmem>>
    %dma_start3A_381 = tpu.memref_squeeze %dma_start3A_380 : memref<1x64x128xf32, #tpu.memory_space<vmem>> -> memref<64x128xf32, #tpu.memory_space<vmem>>
    tpu.enqueue_dma source(%dma_start3A_381 : memref<64x128xf32, #tpu.memory_space<vmem>>) target(%dma_start3A_377 : memref<64x128xf32, #tpu.memory_space<hbm>>) target_semaphore(%arg24 : memref<!tpu.dma_semaphore, #tpu.memory_space<semaphore_mem>>)
    %dma_wait3A_382 = arith.constant 8 : i32
    %dma_wait3A_383 = arith.constant 0 : i32
    %dma_wait3A_384 = arith.constant 0 : i32
    %dma_wait3A_385 = tpu.memref_slice %arg6[%dma_wait3A_382, %dma_wait3A_383, %dma_wait3A_384] : memref<10x64x128xf32, #tpu.memory_space<vmem>> -> memref<1x64x128xf32, #tpu.memory_space<vmem>>
    %dma_wait3A_386 = tpu.memref_squeeze %dma_wait3A_385 : memref<1x64x128xf32, #tpu.memory_space<vmem>> -> memref<64x128xf32, #tpu.memory_space<vmem>>
    %dma_wait3A_387 = arith.constant 0 : i32
    %dma_wait3A_388 = arith.constant 0 : i32
    %dma_wait3A_389 = tpu.memref_slice %arg3[%dma_wait3A_387, %dma_wait3A_388] : memref<100000x128xf32, #tpu.memory_space<hbm>> -> memref<64x128xf32, #tpu.memory_space<hbm>>
    %dma_wait3A_390 = arith.constant 0 : i32
    %dma_wait3A_391 = arith.constant 0 : i32
    %dma_wait3A_392 = tpu.memref_slice %arg6[%dma_wait3A_382, %dma_wait3A_390, %dma_wait3A_391] : memref<10x64x128xf32, #tpu.memory_space<vmem>> -> memref<1x64x128xf32, #tpu.memory_space<vmem>>
    %dma_wait3A_393 = tpu.memref_squeeze %dma_wait3A_392 : memref<1x64x128xf32, #tpu.memory_space<vmem>> -> memref<64x128xf32, #tpu.memory_space<vmem>>
    %dma_wait3A_394 = arith.constant 0 : i32
    %dma_wait3A_395 = arith.constant 0 : i32
    %dma_wait3A_396 = tpu.memref_slice %arg3[%dma_wait3A_394, %dma_wait3A_395] : memref<100000x128xf32, #tpu.memory_space<hbm>> -> memref<64x128xf32, #tpu.memory_space<hbm>>
    tpu.wait_dma2 semaphore(%arg15 : memref<!tpu.dma_semaphore, #tpu.memory_space<semaphore_mem>>) src(%dma_wait3A_396 : memref<64x128xf32, #tpu.memory_space<hbm>>) dst(%dma_wait3A_393 : memref<64x128xf32, #tpu.memory_space<vmem>>)
    %add3A_397 = arith.constant 200704 : i32
    %add3A_398 = arith.addi %add3A_397, %mul3A_2 : i32
    %add3A_399 = arith.constant 0 : i32
    %add3A_400 = arith.addi %add3A_398, %add3A_399 : i32
    %dma_start3A_401 = arith.constant 8 : i32
    %dma_start3A_402 = arith.constant 0 : i32
    %dma_start3A_403 = arith.constant 0 : i32
    %dma_start3A_404 = tpu.memref_slice %arg6[%dma_start3A_401, %dma_start3A_402, %dma_start3A_403] : memref<10x64x128xf32, #tpu.memory_space<vmem>> -> memref<1x64x128xf32, #tpu.memory_space<vmem>>
    %dma_start3A_405 = tpu.memref_squeeze %dma_start3A_404 : memref<1x64x128xf32, #tpu.memory_space<vmem>> -> memref<64x128xf32, #tpu.memory_space<vmem>>
    %dma_start3A_406 = arith.constant 0 : i32
    %dma_start3A_407 = tpu.memref_slice %arg4[%add3A_400, %dma_start3A_406] : memref<204800x128xf32, #tpu.memory_space<hbm>> -> memref<64x128xf32, #tpu.memory_space<hbm>>
    %dma_start3A_408 = arith.constant 0 : i32
    %dma_start3A_409 = tpu.memref_slice %arg4[%add3A_400, %dma_start3A_408] : memref<204800x128xf32, #tpu.memory_space<hbm>> -> memref<64x128xf32, #tpu.memory_space<hbm>>
    %dma_start3A_410 = arith.constant 0 : i32
    %dma_start3A_411 = arith.constant 0 : i32
    %dma_start3A_412 = tpu.memref_slice %arg6[%dma_start3A_401, %dma_start3A_410, %dma_start3A_411] : memref<10x64x128xf32, #tpu.memory_space<vmem>> -> memref<1x64x128xf32, #tpu.memory_space<vmem>>
    %dma_start3A_413 = tpu.memref_squeeze %dma_start3A_412 : memref<1x64x128xf32, #tpu.memory_space<vmem>> -> memref<64x128xf32, #tpu.memory_space<vmem>>
    tpu.enqueue_dma source(%dma_start3A_413 : memref<64x128xf32, #tpu.memory_space<vmem>>) target(%dma_start3A_409 : memref<64x128xf32, #tpu.memory_space<hbm>>) target_semaphore(%arg25 : memref<!tpu.dma_semaphore, #tpu.memory_space<semaphore_mem>>)
    %dma_wait3A_414 = arith.constant 9 : i32
    %dma_wait3A_415 = arith.constant 0 : i32
    %dma_wait3A_416 = arith.constant 0 : i32
    %dma_wait3A_417 = tpu.memref_slice %arg6[%dma_wait3A_414, %dma_wait3A_415, %dma_wait3A_416] : memref<10x64x128xf32, #tpu.memory_space<vmem>> -> memref<1x64x128xf32, #tpu.memory_space<vmem>>
    %dma_wait3A_418 = tpu.memref_squeeze %dma_wait3A_417 : memref<1x64x128xf32, #tpu.memory_space<vmem>> -> memref<64x128xf32, #tpu.memory_space<vmem>>
    %dma_wait3A_419 = arith.constant 0 : i32
    %dma_wait3A_420 = arith.constant 0 : i32
    %dma_wait3A_421 = tpu.memref_slice %arg3[%dma_wait3A_419, %dma_wait3A_420] : memref<100000x128xf32, #tpu.memory_space<hbm>> -> memref<64x128xf32, #tpu.memory_space<hbm>>
    %dma_wait3A_422 = arith.constant 0 : i32
    %dma_wait3A_423 = arith.constant 0 : i32
    %dma_wait3A_424 = tpu.memref_slice %arg6[%dma_wait3A_414, %dma_wait3A_422, %dma_wait3A_423] : memref<10x64x128xf32, #tpu.memory_space<vmem>> -> memref<1x64x128xf32, #tpu.memory_space<vmem>>
    %dma_wait3A_425 = tpu.memref_squeeze %dma_wait3A_424 : memref<1x64x128xf32, #tpu.memory_space<vmem>> -> memref<64x128xf32, #tpu.memory_space<vmem>>
    %dma_wait3A_426 = arith.constant 0 : i32
    %dma_wait3A_427 = arith.constant 0 : i32
    %dma_wait3A_428 = tpu.memref_slice %arg3[%dma_wait3A_426, %dma_wait3A_427] : memref<100000x128xf32, #tpu.memory_space<hbm>> -> memref<64x128xf32, #tpu.memory_space<hbm>>
    tpu.wait_dma2 semaphore(%arg16 : memref<!tpu.dma_semaphore, #tpu.memory_space<semaphore_mem>>) src(%dma_wait3A_428 : memref<64x128xf32, #tpu.memory_space<hbm>>) dst(%dma_wait3A_425 : memref<64x128xf32, #tpu.memory_space<vmem>>)
    %add3A_429 = arith.constant 200704 : i32
    %add3A_430 = arith.addi %add3A_429, %mul3A_2 : i32
    %add3A_431 = arith.constant 64 : i32
    %add3A_432 = arith.addi %add3A_430, %add3A_431 : i32
    %dma_start3A_433 = arith.constant 9 : i32
    %dma_start3A_434 = arith.constant 0 : i32
    %dma_start3A_435 = arith.constant 0 : i32
    %dma_start3A_436 = tpu.memref_slice %arg6[%dma_start3A_433, %dma_start3A_434, %dma_start3A_435] : memref<10x64x128xf32, #tpu.memory_space<vmem>> -> memref<1x64x128xf32, #tpu.memory_space<vmem>>
    %dma_start3A_437 = tpu.memref_squeeze %dma_start3A_436 : memref<1x64x128xf32, #tpu.memory_space<vmem>> -> memref<64x128xf32, #tpu.memory_space<vmem>>
    %dma_start3A_438 = arith.constant 0 : i32
    %dma_start3A_439 = tpu.memref_slice %arg4[%add3A_432, %dma_start3A_438] : memref<204800x128xf32, #tpu.memory_space<hbm>> -> memref<64x128xf32, #tpu.memory_space<hbm>>
    %dma_start3A_440 = arith.constant 0 : i32
    %dma_start3A_441 = tpu.memref_slice %arg4[%add3A_432, %dma_start3A_440] : memref<204800x128xf32, #tpu.memory_space<hbm>> -> memref<64x128xf32, #tpu.memory_space<hbm>>
    %dma_start3A_442 = arith.constant 0 : i32
    %dma_start3A_443 = arith.constant 0 : i32
    %dma_start3A_444 = tpu.memref_slice %arg6[%dma_start3A_433, %dma_start3A_442, %dma_start3A_443] : memref<10x64x128xf32, #tpu.memory_space<vmem>> -> memref<1x64x128xf32, #tpu.memory_space<vmem>>
    %dma_start3A_445 = tpu.memref_squeeze %dma_start3A_444 : memref<1x64x128xf32, #tpu.memory_space<vmem>> -> memref<64x128xf32, #tpu.memory_space<vmem>>
    tpu.enqueue_dma source(%dma_start3A_445 : memref<64x128xf32, #tpu.memory_space<vmem>>) target(%dma_start3A_441 : memref<64x128xf32, #tpu.memory_space<hbm>>) target_semaphore(%arg26 : memref<!tpu.dma_semaphore, #tpu.memory_space<semaphore_mem>>)
    %dma_wait3A_446 = arith.constant 0 : i32
    %dma_wait3A_447 = arith.constant 0 : i32
    %dma_wait3A_448 = arith.constant 0 : i32
    %dma_wait3A_449 = tpu.memref_slice %arg6[%dma_wait3A_446, %dma_wait3A_447, %dma_wait3A_448] : memref<10x64x128xf32, #tpu.memory_space<vmem>> -> memref<1x64x128xf32, #tpu.memory_space<vmem>>
    %dma_wait3A_450 = tpu.memref_squeeze %dma_wait3A_449 : memref<1x64x128xf32, #tpu.memory_space<vmem>> -> memref<64x128xf32, #tpu.memory_space<vmem>>
    %dma_wait3A_451 = arith.constant 0 : i32
    %dma_wait3A_452 = tpu.memref_slice %arg4[%mul3A_2, %dma_wait3A_451] : memref<204800x128xf32, #tpu.memory_space<hbm>> -> memref<64x128xf32, #tpu.memory_space<hbm>>
    %dma_wait3A_453 = arith.constant 0 : i32
    %dma_wait3A_454 = tpu.memref_slice %arg4[%mul3A_2, %dma_wait3A_453] : memref<204800x128xf32, #tpu.memory_space<hbm>> -> memref<64x128xf32, #tpu.memory_space<hbm>>
    %dma_wait3A_455 = arith.constant 0 : i32
    %dma_wait3A_456 = arith.constant 0 : i32
    %dma_wait3A_457 = tpu.memref_slice %arg6[%dma_wait3A_446, %dma_wait3A_455, %dma_wait3A_456] : memref<10x64x128xf32, #tpu.memory_space<vmem>> -> memref<1x64x128xf32, #tpu.memory_space<vmem>>
    %dma_wait3A_458 = tpu.memref_squeeze %dma_wait3A_457 : memref<1x64x128xf32, #tpu.memory_space<vmem>> -> memref<64x128xf32, #tpu.memory_space<vmem>>
    tpu.wait_dma2 semaphore(%arg17 : memref<!tpu.dma_semaphore, #tpu.memory_space<semaphore_mem>>) src(%dma_wait3A_458 : memref<64x128xf32, #tpu.memory_space<vmem>>) dst(%dma_wait3A_454 : memref<64x128xf32, #tpu.memory_space<hbm>>)
    %dma_wait3A_459 = arith.constant 1 : i32
    %dma_wait3A_460 = arith.constant 0 : i32
    %dma_wait3A_461 = arith.constant 0 : i32
    %dma_wait3A_462 = tpu.memref_slice %arg6[%dma_wait3A_459, %dma_wait3A_460, %dma_wait3A_461] : memref<10x64x128xf32, #tpu.memory_space<vmem>> -> memref<1x64x128xf32, #tpu.memory_space<vmem>>
    %dma_wait3A_463 = tpu.memref_squeeze %dma_wait3A_462 : memref<1x64x128xf32, #tpu.memory_space<vmem>> -> memref<64x128xf32, #tpu.memory_space<vmem>>
    %dma_wait3A_464 = arith.constant 0 : i32
    %dma_wait3A_465 = tpu.memref_slice %arg4[%mul3A_2, %dma_wait3A_464] : memref<204800x128xf32, #tpu.memory_space<hbm>> -> memref<64x128xf32, #tpu.memory_space<hbm>>
    %dma_wait3A_466 = arith.constant 0 : i32
    %dma_wait3A_467 = tpu.memref_slice %arg4[%mul3A_2, %dma_wait3A_466] : memref<204800x128xf32, #tpu.memory_space<hbm>> -> memref<64x128xf32, #tpu.memory_space<hbm>>
    %dma_wait3A_468 = arith.constant 0 : i32
    %dma_wait3A_469 = arith.constant 0 : i32
    %dma_wait3A_470 = tpu.memref_slice %arg6[%dma_wait3A_459, %dma_wait3A_468, %dma_wait3A_469] : memref<10x64x128xf32, #tpu.memory_space<vmem>> -> memref<1x64x128xf32, #tpu.memory_space<vmem>>
    %dma_wait3A_471 = tpu.memref_squeeze %dma_wait3A_470 : memref<1x64x128xf32, #tpu.memory_space<vmem>> -> memref<64x128xf32, #tpu.memory_space<vmem>>
    tpu.wait_dma2 semaphore(%arg18 : memref<!tpu.dma_semaphore, #tpu.memory_space<semaphore_mem>>) src(%dma_wait3A_471 : memref<64x128xf32, #tpu.memory_space<vmem>>) dst(%dma_wait3A_467 : memref<64x128xf32, #tpu.memory_space<hbm>>)
    %dma_wait3A_472 = arith.constant 2 : i32
    %dma_wait3A_473 = arith.constant 0 : i32
    %dma_wait3A_474 = arith.constant 0 : i32
    %dma_wait3A_475 = tpu.memref_slice %arg6[%dma_wait3A_472, %dma_wait3A_473, %dma_wait3A_474] : memref<10x64x128xf32, #tpu.memory_space<vmem>> -> memref<1x64x128xf32, #tpu.memory_space<vmem>>
    %dma_wait3A_476 = tpu.memref_squeeze %dma_wait3A_475 : memref<1x64x128xf32, #tpu.memory_space<vmem>> -> memref<64x128xf32, #tpu.memory_space<vmem>>
    %dma_wait3A_477 = arith.constant 0 : i32
    %dma_wait3A_478 = tpu.memref_slice %arg4[%mul3A_2, %dma_wait3A_477] : memref<204800x128xf32, #tpu.memory_space<hbm>> -> memref<64x128xf32, #tpu.memory_space<hbm>>
    %dma_wait3A_479 = arith.constant 0 : i32
    %dma_wait3A_480 = tpu.memref_slice %arg4[%mul3A_2, %dma_wait3A_479] : memref<204800x128xf32, #tpu.memory_space<hbm>> -> memref<64x128xf32, #tpu.memory_space<hbm>>
    %dma_wait3A_481 = arith.constant 0 : i32
    %dma_wait3A_482 = arith.constant 0 : i32
    %dma_wait3A_483 = tpu.memref_slice %arg6[%dma_wait3A_472, %dma_wait3A_481, %dma_wait3A_482] : memref<10x64x128xf32, #tpu.memory_space<vmem>> -> memref<1x64x128xf32, #tpu.memory_space<vmem>>
    %dma_wait3A_484 = tpu.memref_squeeze %dma_wait3A_483 : memref<1x64x128xf32, #tpu.memory_space<vmem>> -> memref<64x128xf32, #tpu.memory_space<vmem>>
    tpu.wait_dma2 semaphore(%arg19 : memref<!tpu.dma_semaphore, #tpu.memory_space<semaphore_mem>>) src(%dma_wait3A_484 : memref<64x128xf32, #tpu.memory_space<vmem>>) dst(%dma_wait3A_480 : memref<64x128xf32, #tpu.memory_space<hbm>>)
    %dma_wait3A_485 = arith.constant 3 : i32
    %dma_wait3A_486 = arith.constant 0 : i32
    %dma_wait3A_487 = arith.constant 0 : i32
    %dma_wait3A_488 = tpu.memref_slice %arg6[%dma_wait3A_485, %dma_wait3A_486, %dma_wait3A_487] : memref<10x64x128xf32, #tpu.memory_space<vmem>> -> memref<1x64x128xf32, #tpu.memory_space<vmem>>
    %dma_wait3A_489 = tpu.memref_squeeze %dma_wait3A_488 : memref<1x64x128xf32, #tpu.memory_space<vmem>> -> memref<64x128xf32, #tpu.memory_space<vmem>>
    %dma_wait3A_490 = arith.constant 0 : i32
    %dma_wait3A_491 = tpu.memref_slice %arg4[%mul3A_2, %dma_wait3A_490] : memref<204800x128xf32, #tpu.memory_space<hbm>> -> memref<64x128xf32, #tpu.memory_space<hbm>>
    %dma_wait3A_492 = arith.constant 0 : i32
    %dma_wait3A_493 = tpu.memref_slice %arg4[%mul3A_2, %dma_wait3A_492] : memref<204800x128xf32, #tpu.memory_space<hbm>> -> memref<64x128xf32, #tpu.memory_space<hbm>>
    %dma_wait3A_494 = arith.constant 0 : i32
    %dma_wait3A_495 = arith.constant 0 : i32
    %dma_wait3A_496 = tpu.memref_slice %arg6[%dma_wait3A_485, %dma_wait3A_494, %dma_wait3A_495] : memref<10x64x128xf32, #tpu.memory_space<vmem>> -> memref<1x64x128xf32, #tpu.memory_space<vmem>>
    %dma_wait3A_497 = tpu.memref_squeeze %dma_wait3A_496 : memref<1x64x128xf32, #tpu.memory_space<vmem>> -> memref<64x128xf32, #tpu.memory_space<vmem>>
    tpu.wait_dma2 semaphore(%arg20 : memref<!tpu.dma_semaphore, #tpu.memory_space<semaphore_mem>>) src(%dma_wait3A_497 : memref<64x128xf32, #tpu.memory_space<vmem>>) dst(%dma_wait3A_493 : memref<64x128xf32, #tpu.memory_space<hbm>>)
    %dma_wait3A_498 = arith.constant 4 : i32
    %dma_wait3A_499 = arith.constant 0 : i32
    %dma_wait3A_500 = arith.constant 0 : i32
    %dma_wait3A_501 = tpu.memref_slice %arg6[%dma_wait3A_498, %dma_wait3A_499, %dma_wait3A_500] : memref<10x64x128xf32, #tpu.memory_space<vmem>> -> memref<1x64x128xf32, #tpu.memory_space<vmem>>
    %dma_wait3A_502 = tpu.memref_squeeze %dma_wait3A_501 : memref<1x64x128xf32, #tpu.memory_space<vmem>> -> memref<64x128xf32, #tpu.memory_space<vmem>>
    %dma_wait3A_503 = arith.constant 0 : i32
    %dma_wait3A_504 = tpu.memref_slice %arg4[%mul3A_2, %dma_wait3A_503] : memref<204800x128xf32, #tpu.memory_space<hbm>> -> memref<64x128xf32, #tpu.memory_space<hbm>>
    %dma_wait3A_505 = arith.constant 0 : i32
    %dma_wait3A_506 = tpu.memref_slice %arg4[%mul3A_2, %dma_wait3A_505] : memref<204800x128xf32, #tpu.memory_space<hbm>> -> memref<64x128xf32, #tpu.memory_space<hbm>>
    %dma_wait3A_507 = arith.constant 0 : i32
    %dma_wait3A_508 = arith.constant 0 : i32
    %dma_wait3A_509 = tpu.memref_slice %arg6[%dma_wait3A_498, %dma_wait3A_507, %dma_wait3A_508] : memref<10x64x128xf32, #tpu.memory_space<vmem>> -> memref<1x64x128xf32, #tpu.memory_space<vmem>>
    %dma_wait3A_510 = tpu.memref_squeeze %dma_wait3A_509 : memref<1x64x128xf32, #tpu.memory_space<vmem>> -> memref<64x128xf32, #tpu.memory_space<vmem>>
    tpu.wait_dma2 semaphore(%arg21 : memref<!tpu.dma_semaphore, #tpu.memory_space<semaphore_mem>>) src(%dma_wait3A_510 : memref<64x128xf32, #tpu.memory_space<vmem>>) dst(%dma_wait3A_506 : memref<64x128xf32, #tpu.memory_space<hbm>>)
    %dma_wait3A_511 = arith.constant 5 : i32
    %dma_wait3A_512 = arith.constant 0 : i32
    %dma_wait3A_513 = arith.constant 0 : i32
    %dma_wait3A_514 = tpu.memref_slice %arg6[%dma_wait3A_511, %dma_wait3A_512, %dma_wait3A_513] : memref<10x64x128xf32, #tpu.memory_space<vmem>> -> memref<1x64x128xf32, #tpu.memory_space<vmem>>
    %dma_wait3A_515 = tpu.memref_squeeze %dma_wait3A_514 : memref<1x64x128xf32, #tpu.memory_space<vmem>> -> memref<64x128xf32, #tpu.memory_space<vmem>>
    %dma_wait3A_516 = arith.constant 0 : i32
    %dma_wait3A_517 = tpu.memref_slice %arg4[%mul3A_2, %dma_wait3A_516] : memref<204800x128xf32, #tpu.memory_space<hbm>> -> memref<64x128xf32, #tpu.memory_space<hbm>>
    %dma_wait3A_518 = arith.constant 0 : i32
    %dma_wait3A_519 = tpu.memref_slice %arg4[%mul3A_2, %dma_wait3A_518] : memref<204800x128xf32, #tpu.memory_space<hbm>> -> memref<64x128xf32, #tpu.memory_space<hbm>>
    %dma_wait3A_520 = arith.constant 0 : i32
    %dma_wait3A_521 = arith.constant 0 : i32
    %dma_wait3A_522 = tpu.memref_slice %arg6[%dma_wait3A_511, %dma_wait3A_520, %dma_wait3A_521] : memref<10x64x128xf32, #tpu.memory_space<vmem>> -> memref<1x64x128xf32, #tpu.memory_space<vmem>>
    %dma_wait3A_523 = tpu.memref_squeeze %dma_wait3A_522 : memref<1x64x128xf32, #tpu.memory_space<vmem>> -> memref<64x128xf32, #tpu.memory_space<vmem>>
    tpu.wait_dma2 semaphore(%arg22 : memref<!tpu.dma_semaphore, #tpu.memory_space<semaphore_mem>>) src(%dma_wait3A_523 : memref<64x128xf32, #tpu.memory_space<vmem>>) dst(%dma_wait3A_519 : memref<64x128xf32, #tpu.memory_space<hbm>>)
    %dma_wait3A_524 = arith.constant 6 : i32
    %dma_wait3A_525 = arith.constant 0 : i32
    %dma_wait3A_526 = arith.constant 0 : i32
    %dma_wait3A_527 = tpu.memref_slice %arg6[%dma_wait3A_524, %dma_wait3A_525, %dma_wait3A_526] : memref<10x64x128xf32, #tpu.memory_space<vmem>> -> memref<1x64x128xf32, #tpu.memory_space<vmem>>
    %dma_wait3A_528 = tpu.memref_squeeze %dma_wait3A_527 : memref<1x64x128xf32, #tpu.memory_space<vmem>> -> memref<64x128xf32, #tpu.memory_space<vmem>>
    %dma_wait3A_529 = arith.constant 0 : i32
    %dma_wait3A_530 = tpu.memref_slice %arg4[%mul3A_2, %dma_wait3A_529] : memref<204800x128xf32, #tpu.memory_space<hbm>> -> memref<64x128xf32, #tpu.memory_space<hbm>>
    %dma_wait3A_531 = arith.constant 0 : i32
    %dma_wait3A_532 = tpu.memref_slice %arg4[%mul3A_2, %dma_wait3A_531] : memref<204800x128xf32, #tpu.memory_space<hbm>> -> memref<64x128xf32, #tpu.memory_space<hbm>>
    %dma_wait3A_533 = arith.constant 0 : i32
    %dma_wait3A_534 = arith.constant 0 : i32
    %dma_wait3A_535 = tpu.memref_slice %arg6[%dma_wait3A_524, %dma_wait3A_533, %dma_wait3A_534] : memref<10x64x128xf32, #tpu.memory_space<vmem>> -> memref<1x64x128xf32, #tpu.memory_space<vmem>>
    %dma_wait3A_536 = tpu.memref_squeeze %dma_wait3A_535 : memref<1x64x128xf32, #tpu.memory_space<vmem>> -> memref<64x128xf32, #tpu.memory_space<vmem>>
    tpu.wait_dma2 semaphore(%arg23 : memref<!tpu.dma_semaphore, #tpu.memory_space<semaphore_mem>>) src(%dma_wait3A_536 : memref<64x128xf32, #tpu.memory_space<vmem>>) dst(%dma_wait3A_532 : memref<64x128xf32, #tpu.memory_space<hbm>>)
    %dma_wait3A_537 = arith.constant 7 : i32
    %dma_wait3A_538 = arith.constant 0 : i32
    %dma_wait3A_539 = arith.constant 0 : i32
    %dma_wait3A_540 = tpu.memref_slice %arg6[%dma_wait3A_537, %dma_wait3A_538, %dma_wait3A_539] : memref<10x64x128xf32, #tpu.memory_space<vmem>> -> memref<1x64x128xf32, #tpu.memory_space<vmem>>
    %dma_wait3A_541 = tpu.memref_squeeze %dma_wait3A_540 : memref<1x64x128xf32, #tpu.memory_space<vmem>> -> memref<64x128xf32, #tpu.memory_space<vmem>>
    %dma_wait3A_542 = arith.constant 0 : i32
    %dma_wait3A_543 = tpu.memref_slice %arg4[%mul3A_2, %dma_wait3A_542] : memref<204800x128xf32, #tpu.memory_space<hbm>> -> memref<64x128xf32, #tpu.memory_space<hbm>>
    %dma_wait3A_544 = arith.constant 0 : i32
    %dma_wait3A_545 = tpu.memref_slice %arg4[%mul3A_2, %dma_wait3A_544] : memref<204800x128xf32, #tpu.memory_space<hbm>> -> memref<64x128xf32, #tpu.memory_space<hbm>>
    %dma_wait3A_546 = arith.constant 0 : i32
    %dma_wait3A_547 = arith.constant 0 : i32
    %dma_wait3A_548 = tpu.memref_slice %arg6[%dma_wait3A_537, %dma_wait3A_546, %dma_wait3A_547] : memref<10x64x128xf32, #tpu.memory_space<vmem>> -> memref<1x64x128xf32, #tpu.memory_space<vmem>>
    %dma_wait3A_549 = tpu.memref_squeeze %dma_wait3A_548 : memref<1x64x128xf32, #tpu.memory_space<vmem>> -> memref<64x128xf32, #tpu.memory_space<vmem>>
    tpu.wait_dma2 semaphore(%arg24 : memref<!tpu.dma_semaphore, #tpu.memory_space<semaphore_mem>>) src(%dma_wait3A_549 : memref<64x128xf32, #tpu.memory_space<vmem>>) dst(%dma_wait3A_545 : memref<64x128xf32, #tpu.memory_space<hbm>>)
    %dma_wait3A_550 = arith.constant 8 : i32
    %dma_wait3A_551 = arith.constant 0 : i32
    %dma_wait3A_552 = arith.constant 0 : i32
    %dma_wait3A_553 = tpu.memref_slice %arg6[%dma_wait3A_550, %dma_wait3A_551, %dma_wait3A_552] : memref<10x64x128xf32, #tpu.memory_space<vmem>> -> memref<1x64x128xf32, #tpu.memory_space<vmem>>
    %dma_wait3A_554 = tpu.memref_squeeze %dma_wait3A_553 : memref<1x64x128xf32, #tpu.memory_space<vmem>> -> memref<64x128xf32, #tpu.memory_space<vmem>>
    %dma_wait3A_555 = arith.constant 0 : i32
    %dma_wait3A_556 = tpu.memref_slice %arg4[%mul3A_2, %dma_wait3A_555] : memref<204800x128xf32, #tpu.memory_space<hbm>> -> memref<64x128xf32, #tpu.memory_space<hbm>>
    %dma_wait3A_557 = arith.constant 0 : i32
    %dma_wait3A_558 = tpu.memref_slice %arg4[%mul3A_2, %dma_wait3A_557] : memref<204800x128xf32, #tpu.memory_space<hbm>> -> memref<64x128xf32, #tpu.memory_space<hbm>>
    %dma_wait3A_559 = arith.constant 0 : i32
    %dma_wait3A_560 = arith.constant 0 : i32
    %dma_wait3A_561 = tpu.memref_slice %arg6[%dma_wait3A_550, %dma_wait3A_559, %dma_wait3A_560] : memref<10x64x128xf32, #tpu.memory_space<vmem>> -> memref<1x64x128xf32, #tpu.memory_space<vmem>>
    %dma_wait3A_562 = tpu.memref_squeeze %dma_wait3A_561 : memref<1x64x128xf32, #tpu.memory_space<vmem>> -> memref<64x128xf32, #tpu.memory_space<vmem>>
    tpu.wait_dma2 semaphore(%arg25 : memref<!tpu.dma_semaphore, #tpu.memory_space<semaphore_mem>>) src(%dma_wait3A_562 : memref<64x128xf32, #tpu.memory_space<vmem>>) dst(%dma_wait3A_558 : memref<64x128xf32, #tpu.memory_space<hbm>>)
    %dma_wait3A_563 = arith.constant 9 : i32
    %dma_wait3A_564 = arith.constant 0 : i32
    %dma_wait3A_565 = arith.constant 0 : i32
    %dma_wait3A_566 = tpu.memref_slice %arg6[%dma_wait3A_563, %dma_wait3A_564, %dma_wait3A_565] : memref<10x64x128xf32, #tpu.memory_space<vmem>> -> memref<1x64x128xf32, #tpu.memory_space<vmem>>
    %dma_wait3A_567 = tpu.memref_squeeze %dma_wait3A_566 : memref<1x64x128xf32, #tpu.memory_space<vmem>> -> memref<64x128xf32, #tpu.memory_space<vmem>>
    %dma_wait3A_568 = arith.constant 0 : i32
    %dma_wait3A_569 = tpu.memref_slice %arg4[%mul3A_2, %dma_wait3A_568] : memref<204800x128xf32, #tpu.memory_space<hbm>> -> memref<64x128xf32, #tpu.memory_space<hbm>>
    %dma_wait3A_570 = arith.constant 0 : i32
    %dma_wait3A_571 = tpu.memref_slice %arg4[%mul3A_2, %dma_wait3A_570] : memref<204800x128xf32, #tpu.memory_space<hbm>> -> memref<64x128xf32, #tpu.memory_space<hbm>>
    %dma_wait3A_572 = arith.constant 0 : i32
    %dma_wait3A_573 = arith.constant 0 : i32
    %dma_wait3A_574 = tpu.memref_slice %arg6[%dma_wait3A_563, %dma_wait3A_572, %dma_wait3A_573] : memref<10x64x128xf32, #tpu.memory_space<vmem>> -> memref<1x64x128xf32, #tpu.memory_space<vmem>>
    %dma_wait3A_575 = tpu.memref_squeeze %dma_wait3A_574 : memref<1x64x128xf32, #tpu.memory_space<vmem>> -> memref<64x128xf32, #tpu.memory_space<vmem>>
    tpu.wait_dma2 semaphore(%arg26 : memref<!tpu.dma_semaphore, #tpu.memory_space<semaphore_mem>>) src(%dma_wait3A_575 : memref<64x128xf32, #tpu.memory_space<vmem>>) dst(%dma_wait3A_571 : memref<64x128xf32, #tpu.memory_space<hbm>>)
    return
  }
}

</mosaic_0001>

<sc_bundles>
// kernel: kernel.3.cloned.1.call-start
scs
__scs_entry_jumppad:
0x0: {  	(pc) =	sbr.rel $0x88, $3  }
0x1: {  	(tag) =	ssettag $0x0;
	lr =	simm.s32 $0x1  }
0x2: {  	[smem:$0x3F9F] =	sst lr;
	_ =	strace $0xD0000000  }
0x3: {  	_ = 	snop  }
0x4: {  	_ = 	snop  }
0x5: {  	_ = 	snop  }
0x6: {  	_ = 	snop  }
0x7: {  	_ = 	snop  }
__scs_overlays_trampoline_lowered:
0x8: {  	[smem:$0x3FAE] =	sst s0  }
0x9: {  	[smem:$0x3FAF] =	sst s1  }
0xa: {  	[smem:$0x3FB0] =	sst s2  }
0xb: {  	[smem:$0x3FB1] =	sst s3  }
0xc: {  	[smem:$0x3FB2] =	sst s4  }
0xd: {  	[smem:$0x3FB3] =	sst s5  }
0xe: {  	[smem:$0x3FB4] =	sst s6  }
0xf: {  	[smem:$0x3FB5] =	sst s7  }
0x10: {  	[smem:$0x3FB6] =	sst s8  }
0x11: {  	[smem:$0x3FB7] =	sst s9;
	s0 =	simm.s32 @!p0 $0x0  }
0x12: {  	s1 =	sld [smem:$0x3F9D];
	s0 =	simm.s32 @p0 $0x1  }
0x13: {  	[smem:$0x3FB8] =	sst s0;
	s0 =	simm.s32 @!p1 $0x0  }
0x14: {  	s2 =	sld [smem:$0x3F9C];
	s0 =	simm.s32 @p1 $0x1  }
0x15: {  	[smem:$0x3FB9] =	sst s0;
	s0 =	simm.s32 @!p2 $0x0  }
0x16: {  	s3 =	sld [smem:$0x3FDB];
	s0 =	simm.s32 @p2 $0x1  }
0x17: {  	s4 =	simm.s32 $0x1BF5;
	[smem:$0x3FBB] =	sst s0  }
0x18: {  	s0 =	sld [smem:$0x3F9E];
	_ =	swait.ge [sflag:s4], $0x0  }
0x19: {  	s7 =	sld [smem:$0x3F9F]  }
0x1a: {  	s8 =	sadd.s32 $0xFFFFE003, lr  }
0x1b: {  	s9 =	sadd.s32 $0xFFFFFEF7, lr;
	s5 =	simm.s32 $0xFFFFFFFF;
	p2 =	slt.u32 s8, $0xFFFFF086  }
0x1c: {  	p1 =	slt.u32 s9, $0xF7A;
	s5 =	simm.s32 @!p2 $0x0  }
0x1d: {  	s5 =	simm.s32 @p1 $0x1;
	p0 =	seq.s32 s7, s2  }
0x1e: {  	s7 =	smul.u32 @!p0 $0xF7A, s2;
	p2 =	seq.s32 @!p0 s5, $0x0  }
0x1f: {  	s9 =	smul.u32 $0xF7A, s1;
	s8 =	simm.s32 @!p0 $0x1BF5;
	p2 =	por !p2, p0  }
0x20: {  	[sflag:s8] =	ssyncset.s32 @!p0 $0xFFFFF086;
	s6 =	sadd.s32 @!p0 s3, s7;
	s7 =	simm.s32 @!p0 $0x108  }
0x21: {  	s3 =	sadd.s32 s3, s9;
	s6 =	sadd.s32 @!p0 $0x88, s6;
	s7 =	simm.s32 @p2 $0x1082  }
0x22: {  	[simem:s7], [sflag:s8] =	dma.local @!p0 [hbm:s6], $0xF7A  }
0x23: {  	s9 =	sor.u32 $0xD0000000, s2;
	s6 =	simm.s32 $0x108;
	_ =	swait.ge @!p0 [sflag:s8], $0x0  }
0x24: {  	s3 =	sadd.s32 $0x88, s3;
	s6 =	simm.s32 @!p1 $0x1082;
	[sflag:s4] =	ssyncset.s32 $0xFFFFF086  }
0x25: {  	[simem:s6], [sflag:s4] =	dma.local [hbm:s3], $0xF7A  }
0x26: {  	[smem:$0x3F9F] =	sst s1;
	(tag) =	ssettag s2;
	_ =	strace s9  }
0x27: {  	s1 =	sld [smem:$0x3FAF]  }
0x28: {  	s2 =	sld [smem:$0x3FB0]  }
0x29: {  	s4 =	sld [smem:$0x3FB2]  }
0x2a: {  	p0 =	seq.s32 s5, $0x0;
	s5 =	sld [smem:$0x3FB3]  }
0x2b: {  	s6 =	sld [smem:$0x3FB4]  }
0x2c: {  	s7 =	sld [smem:$0x3FB5]  }
0x2d: {  	s3 =	simm.s32 $0x108;
	s8 =	sld [smem:$0x3FB6]  }
0x2e: {  	s3 =	simm.s32 @!p0 $0x1082;
	s9 =	sld [smem:$0x3FB7]  }
0x2f: {  	lr =	sadd.s32 s0, s3;
	s0 =	sld [smem:$0x3FAE]  }
0x30: {  	s3 =	sld [smem:$0x3FB1]  }
0x31: {  	[smem:$0x3FBA] =	sst s10  }
0x32: {  	s10 =	sld [smem:$0x3FB8];
	_ =	sdelay $0x3  }
0x33: {  	p0 =	seq.s32 s10, $0x1;
	s10 =	sld [smem:$0x3FBA];
	_ =	sdelay $0x3  }
0x34: {  	[smem:$0x3FBA] =	sst s10  }
0x35: {  	s10 =	sld [smem:$0x3FB9];
	_ =	sdelay $0x3  }
0x36: {  	p1 =	seq.s32 s10, $0x1;
	s10 =	sld [smem:$0x3FBA];
	_ =	sdelay $0x3  }
0x37: {  	[smem:$0x3FBA] =	sst s10  }
0x38: {  	s10 =	sld [smem:$0x3FBB]  }
0x39: {  	_ = 	snop;
	(pc) =	sbr.ind lr, $3  }
0x3a: {  	_ = 	snop  }
0x3b: {  	_ = 	snop  }
0x3c: {  	p2 =	seq.s32 s10, $0x1;
	s10 =	sld [smem:$0x3FBA]  }
0x3d: {  	_ =	shalt  }
0x3e: {  	_ =	shalt  }
0x3f: {  	_ =	shalt  }
0x40: {  	_ =	shalt  }
0x41: {  	_ =	shalt  }
0x42: {  	_ =	shalt  }
0x43: {  	_ =	shalt  }
0x44: {  	_ =	shalt  }
0x45: {  	_ =	shalt  }
0x46: {  	_ =	shalt  }
0x47: {  	_ =	shalt  }
0x48: {  	_ =	shalt  }
0x49: {  	_ =	shalt  }
0x4a: {  	_ =	shalt  }
0x4b: {  	_ =	shalt  }
0x4c: {  	_ =	shalt  }
0x4d: {  	_ =	shalt  }
0x4e: {  	_ =	shalt  }
0x4f: {  	_ =	shalt  }
0x50: {  	_ =	shalt  }
0x51: {  	_ =	shalt  }
0x52: {  	_ =	shalt  }
0x53: {  	_ =	shalt  }
0x54: {  	_ =	shalt  }
0x55: {  	_ =	shalt  }
0x56: {  	_ =	shalt  }
0x57: {  	_ =	shalt  }
0x58: {  	_ =	shalt  }
0x59: {  	_ =	shalt  }
0x5a: {  	_ =	shalt  }
0x5b: {  	_ =	shalt  }
0x5c: {  	_ =	shalt  }
0x5d: {  	_ =	shalt  }
0x5e: {  	_ =	shalt  }
0x5f: {  	_ =	shalt  }
0x60: {  	_ =	shalt  }
0x61: {  	_ =	shalt  }
0x62: {  	_ =	shalt  }
0x63: {  	_ =	shalt  }
0x64: {  	_ =	shalt  }
0x65: {  	_ =	shalt  }
0x66: {  	_ =	shalt  }
0x67: {  	_ =	shalt  }
0x68: {  	_ =	shalt  }
0x69: {  	_ =	shalt  }
0x6a: {  	_ =	shalt  }
0x6b: {  	_ =	shalt  }
0x6c: {  	_ =	shalt  }
0x6d: {  	_ =	shalt  }
0x6e: {  	_ =	shalt  }
0x6f: {  	_ =	shalt  }
0x70: {  	_ =	shalt  }
0x71: {  	_ =	shalt  }
0x72: {  	_ =	shalt  }
0x73: {  	_ =	shalt  }
0x74: {  	_ =	shalt  }
0x75: {  	_ =	shalt  }
0x76: {  	_ =	shalt  }
0x77: {  	_ =	shalt  }
0x78: {  	_ =	shalt  }
0x79: {  	_ =	shalt  }
0x7a: {  	_ =	shalt  }
0x7b: {  	_ =	shalt  }
0x7c: {  	_ =	shalt  }
0x7d: {  	_ =	shalt  }
0x7e: {  	_ =	shalt  }
0x7f: {  	_ =	shalt  }
0x80: {  	_ =	shalt  }
0x81: {  	_ =	shalt  }
0x82: {  	_ =	shalt  }
0x83: {  	_ =	shalt  }
0x84: {  	_ =	shalt  }
0x85: {  	_ =	shalt  }
0x86: {  	_ =	shalt  }
0x87: {  	_ =	shalt  }
.Lfunc_end0:
.L_simem_size_0:
called_computation_lowered:
.L_overlay_start_0:
0x88: {  	s2 =	sld [smem:$0x3FD9]  }
0x89: {  	s3 =	sld [smem:$0x3FFE];
	_ =	sdelay $0x1  }
0x8a: {  	s1 =	srdreg.scid  }
0x8b: {  	s0 =	sand.u32 $0x1, s1  }
0x8c: {  	s17 =	sshll.u32 s0, $0xA;
	s2 =	sadd.s32 s3, s2  }
0x8d: {  	s2 =	sadd.s32 s2, s17  }
0x8e: {  	[smem:$0x3FC6] =	sst s2  }
0x8f: {  	_ = 	snop  }
0x90: {  	s2 =	sld [smem:$0x3FC8]  }
0x91: {  	s18 =	sld [smem:$0x3FD0];
	(tm) =	ssettm $0x1  }
0x92: {  	s4 =	sld [smem:$0x3FFB];
	_ =	sdelay $0x3  }
0x93: {  	_ =	strace s4  }
0x94: {  	s4 =	sld [smem:$0x3FFC];
	_ =	sdelay $0x3  }
0x95: {  	_ =	strace s4  }
0x96: {  	s4 =	sld [smem:$0x3FFD];
	_ =	sdelay $0x3  }
0x97: {  	_ =	strace s4  }
0x98: {  	_ =	strace $0x8FFFFFFF  }
0x99: {  	s19 =	sld [smem:$0x3FDB];
	_ =	sdelay $0x1  }
0x9a: {  	s5 =	simm.s32 $_scs_section_size  }
0x9b: {  	s6 =	simm.s32 $_size__tile_overlayer_lowered;
	s7 =	simm.s32 $_tile_overlayer_lowered  }
0x9c: {  	s22 =	simm.s32 $0x1BFF;
	s21 =	sshll.u32 s7, $0x1;
	s4 =	sadd.s32 s5, s19  }
0x9d: {  	s8 =	simm.s32 $0x0;
	s20 =	sshll.u32 s6, $0x1;
	s6 =	sadd.s32 s21, s4  }
0x9e: {  	[timem:s8], [sflag:s22] =	dma.local [hbm:s6], s20  }
0x9f: {  	_ =	swait.ge [sflag:s22], s20  }
0xa0: {  	s5 =	ssub.s32 $0x0, s20;
	[sflag:s22] =	ssyncset.done $0x0  }
0xa1: {  	[sflag:s22] =	ssyncadd.s32 s5;
	_ =	sdelay $0x1  }
0xa2: {  	s23 =	simm.s32 $0x1B8B  }
0xa3: {  	_ =	swait.ge [sflag:s23], $0x1  }
0xa4: {  	[sflag:s23] =	ssyncset.done $0x0  }
0xa5: {  	s25 =	simm.s32 $0x1B8E;
	s24 =	sld [smem:$0x3FFE];
	[sflag:s23] =	ssyncadd.s32 $0xFFFFFFFF  }
0xa6: {  	s26 =	simm.s32 $execute0_lowered;
	[smem:$0x3FD2] =	sst s25  }
0xa7: {  	s6 =	sshll.u32 s26, $0x1;
	_ =	strace $0x80000046;
	[dreg:$0x1] =	wrdreg $0xFFFFFFFF  }
0xa8: {  	s28 =	simm.s32 $_size_execute0_lowered;
	s4 =	sadd.s32 s4, s6;
	[dreg:$0x0] =	wrdreg $0x0  }
0xa9: {  	s6 =	sshll.u32 s28, $0x1;
	[dreg:$0x2] =	wrdreg s4  }
0xaa: {  	[dreg:$0x3] =	wrdreg s6  }
0xab: {  	[dreg:$0x4] =	wrdreg $0xC0  }
0xac: {  	_ =	task [dreg:s8], $0x5FFFF  }
0xad: {  	[dreg:$0x1] =	wrdreg $0xFFFFFFFF  }
0xae: {  	[dreg:$0x0] =	wrdreg $0x60  }
0xaf: {  	[dreg:$0x2] =	wrdreg s24  }
0xb0: {  	[dreg:$0x3] =	wrdreg s2  }
0xb1: {  	[dreg:$0x4] =	wrdreg s18  }
0xb2: {  	[dreg:$0x5] =	wrdreg $0x9  }
0xb3: {  	_ =	task.clear_ibuf [dreg:s8], $0x6FFFF;
	_ =	strace $0x90000046  }
0xb4: {  	s29 =	simm.s32 $0x9;
	_ =	strace $0x80000048  }
0xb5: {  	_ =	swait.ge [sflag:s29], $0x1  }
0xb6: {  	[sflag:s29] =	ssyncadd.s32 $0xFFFFFFFF  }
0xb7: {  	_ =	strace $0x90000048  }
0xb8: {  	_ =	sfence  }
0xb9: {  	s30 =	sld [smem:$0x0];
	_ =	sdelay $0x2  }
0xba: {  	s31 =	sshll.u32 s1, $0xD;
	s1 =	sshrl.u32 s1, $0x2  }
0xbb: {  	s3 =	sand.u32 $0x4000, s31;
	s1 =	sadd.s32 s1, s30  }
0xbc: {  	s0 =	sor.u32 s3, s0;
	s1 =	sshll.u32 s1, $0x11  }
0xbd: {  	s0 =	sor.u32 s1, s0  }
0xbe: {  	s0 =	sadd.s32 $0x8F2B, s0  }
0xbf: {  	[sflag:s0] =	ssyncadd.remote.s32 $0x1  }
0xc0: {  	_ =	sfence.sel $0xFFFF  }
0xc1: {  	[dreg:$0x0] =	wrdreg $0xFFFFFFFF;
	(pc) =	sbr.abs _section_cstart, $3  }
0xc2: {  	[dreg:$0x1] =	wrdreg $0xFFFFFFFF  }
0xc3: {  	_ =	task.clear_ibuf [dreg:s8], $0x2FFFF;
	_ =	strace $0x9FFFFFFF  }
0xc4: {  	(tm) =	ssettm $0x7FFFFFFF  }
0xc5: {  	_ =	shalt  }
tec
execute0_lowered:
.L_overlay_start_1:
0x0: {  	(tag) =	ssettag $0x1  }
0x1: {  	s0 =	rddreg [dreg:$0x0]  }
0x2: {  	s2 =	rddreg [dreg:$0x1];
	s1 =	srdreg.scid  }
0x3: {  	s7 =	stileid.u32;
	s8 =	rddreg [dreg:$0x2];
	s4 =	simm.s32 $0x0  }
0x4: {  	s1 =	sand.u32 $0x1, s1;
	s3 =	sshll.u32 s7, $0x1;
	s16 =	sshll.u32 s7, $0xC  }
0x5: {  	s3 =	sor.u32 s1, s3;
	s6 =	ssub.s32 $0x2, s1;
	s14 =	sshll.u32 s1, $0xE  }
0x6: {  	s1 =	sshll.u32 s1, $0xB;
	s5 =	smul.u32 $0x680, s3;
	s3 =	sshll.u32 s3, $0xB  }
0x7: {  	[smem:$0x7FF] =	sst s4;
	s1 =	sor.u32 s1, s16;
	s3 =	sadd.s32 s3, s8  }
0x8: {  	_ =	strace $0x80000047;
	[dreg:$0x4] =	wrdreg s1;
	s8 =	sadd.s32 $0x2D0400, s3  }
0x9: {  	s9 =	sadd.s32 $0x2D0000, s3;
	[dreg:$0xb] =	wrdreg s8  }
0xa: {  	s13 =	sshll.u32 s7, $0xF;
	s10 =	sadd.s32 $0x2E0000, s3;
	[dreg:$0xc] =	wrdreg s9  }
0xb: {  	s31 =	sshrl.u32 s6, $0x1;
	s11 =	sadd.s32 $0x2E0400, s3;
	[dreg:$0xd] =	wrdreg s10  }
0xc: {  	s16 =	simm.s32 $0x10;
	s12 =	sadd.s32 $0x2F0000, s3;
	[dreg:$0xe] =	wrdreg s11  }
0xd: {  	s0 =	sadd.s32 s5, s0;
	s15 =	sadd.s32 $0x300000, s3;
	[dreg:$0xf] =	wrdreg s12  }
0xe: {  	s5 =	ssub.s32 s6, s31;
	s18 =	sadd.s32 $0x300400, s3;
	[dreg:$0x11] =	wrdreg s15  }
0xf: {  	s29 =	sadd.s32 $0x310000, s3;
	s30 =	sadd.s32 $0x310400, s3;
	[dreg:$0x12] =	wrdreg s18  }
0x10: {  	s0 =	sadd.s32 $0x400, s0;
	s8 =	sadd.s32 $0x2F0400, s3;
	[dreg:$0x13] =	wrdreg s29  }
0x11: {  	[dreg:$0x14] =	wrdreg s30;
	s31 =	smax.u32 s5, $0x1;
	s18 =	simm.s32 $0x40  }
0x12: {  	s9 =	simm.s32 $0x9;
	s10 =	simm.s32 $0xA;
	s11 =	simm.s32 $0xB  }
0x13: {  	s12 =	simm.s32 $0xC;
	s15 =	simm.s32 $0xF;
	[dreg:$0xa] =	wrdreg s0  }
0x14: {  	s3 =	simm.s32 $0x12;
	[dreg:$0x10] =	wrdreg s8;
	s0 =	sor.u32 s14, s13  }
0x15: {  	[dreg:$0x15] =	wrdreg s31;
	s8 =	simm.s32 $0x8;
	s13 =	simm.s32 $0xD  }
0x16: {  	s14 =	simm.s32 $0xE;
	s17 =	sor.u32 $0x200000, s0;
	s21 =	sor.u32 $0x180000, s0  }
0x17: {  	s23 =	sor.u32 $0x100000, s0;
	s24 =	sor.u32 $0x80000, s0;
	s0 =	sshrl.u32 s0, $0x3  }
0x18: {  	s19 =	sshrl.u32 s17, $0x3;
	s22 =	sshrl.u32 s21, $0x3;
	s0 =	sor.u32 $0x400, s0  }
0x19: {  	s6 =	sshrl.u32 s23, $0x3;
	s20 =	sor.u32 $0x400, s19;
	[dreg:$0x9] =	wrdreg s0  }
0x1a: {  	s26 =	sshrl.u32 s24, $0x3;
	s1 =	sor.u32 $0x400, s22;
	[dreg:$0x5] =	wrdreg s20  }
0x1b: {  	s17 =	simm.s32 $0x11;
	s25 =	sor.u32 $0x400, s6;
	[dreg:$0x6] =	wrdreg s1  }
0x1c: {  	s21 =	simm.s32 $0x14;
	s28 =	sor.u32 $0x400, s26;
	[dreg:$0x7] =	wrdreg s25  }
0x1d: {  	s19 =	simm.s32 $0x13;
	s0 =	simm.s32 $0x0;
	[dreg:$0x8] =	wrdreg s28  }
.LBB2_1:
0x1e: {  	[dreg:$0x16] =	wrdreg s0  }
0x1f: {  	s1 =	rddreg [dreg:$0xa];
	s22 =	simm.s32 $0x15  }
0x20: {  	[tilespmem:s4], [sflag:$0x15] =	stream.linear.gather [hbm4b:s1+s4], $0x3200, $0x38;
	[tilespmem:$0x17400] =	vst v63  }
0x21: {  	_ =	swait.ge [sflag:s22], $0x3200  }
0x22: {  	[sflag:s22] =	ssyncset.done $0x0  }
0x23: {  	s20 =	simm.s32 $0x3400;
	[sflag:s22] =	ssyncadd.s32 $0xFFFFCE00  }
0x24: {  	[tilespmem:s20], [sflag:$0x1] =	stream.indirect.gather [hbm4b:s2+s18], $0x80, s4, s18, $0xb8;
	[tilespmem:$0x17400] =	vst v63  }
0x25: {  	s23 =	simm.s32 $0x80;
	s24 =	simm.s32 $0x5400  }
0x26: {  	[tilespmem:s24], [sflag:$0x2] =	stream.indirect.gather [hbm4b:s2+s18], $0x80, s23, s18, $0xb8;
	[tilespmem:$0x17400] =	vst v63  }
0x27: {  	s25 =	simm.s32 $0x100;
	s28 =	simm.s32 $0x7400  }
0x28: {  	[tilespmem:s28], [sflag:$0x3] =	stream.indirect.gather [hbm4b:s2+s18], $0x80, s25, s18, $0xb8;
	[tilespmem:$0x17400] =	vst v63  }
0x29: {  	s26 =	simm.s32 $0x180;
	s29 =	simm.s32 $0x9400  }
0x2a: {  	[tilespmem:s29], [sflag:$0x4] =	stream.indirect.gather [hbm4b:s2+s18], $0x80, s26, s18, $0xb8;
	[tilespmem:$0x17400] =	vst v63  }
0x2b: {  	s30 =	simm.s32 $0x200;
	s0 =	simm.s32 $0xB400  }
0x2c: {  	[tilespmem:s0], [sflag:$0x5] =	stream.indirect.gather [hbm4b:s2+s18], $0x80, s30, s18, $0xb8;
	[tilespmem:$0x17400] =	vst v63  }
0x2d: {  	s31 =	simm.s32 $0x280;
	s22 =	simm.s32 $0xD400  }
0x2e: {  	[tilespmem:s22], [sflag:$0x6] =	stream.indirect.gather [hbm4b:s2+s18], $0x80, s31, s18, $0xb8;
	[tilespmem:$0x17400] =	vst v63  }
0x2f: {  	s5 =	simm.s32 $0x300;
	s26 =	simm.s32 $0xF400  }
0x30: {  	[tilespmem:s26], [sflag:$0x7] =	stream.indirect.gather [hbm4b:s2+s18], $0x80, s5, s18, $0xb8;
	[tilespmem:$0x17400] =	vst v63  }
0x31: {  	s6 =	simm.s32 $0x380;
	s30 =	simm.s32 $0x11400  }
0x32: {  	[tilespmem:s30], [sflag:$0x8] =	stream.indirect.gather [hbm4b:s2+s18], $0x80, s6, s18, $0xb8;
	[tilespmem:$0x17400] =	vst v63  }
0x33: {  	s7 =	simm.s32 $0x400;
	s5 =	simm.s32 $0x13400  }
0x34: {  	[tilespmem:s5], [sflag:$0x9] =	stream.indirect.gather [hbm4b:s2+s18], $0x80, s7, s18, $0xb8;
	[tilespmem:$0x17400] =	vst v63  }
0x35: {  	s23 =	simm.s32 $0x480;
	s25 =	simm.s32 $0x1;
	s6 =	simm.s32 $0x15400  }
0x36: {  	[tilespmem:s6], [sflag:$0xA] =	stream.indirect.gather [hbm4b:s2+s18], $0x80, s23, s18, $0xb8;
	[tilespmem:$0x17400] =	vst v63  }
0x37: {  	_ =	swait.ge [sflag:s25], $0x2000  }
0x38: {  	[sflag:s25] =	ssyncset.done $0x0  }
0x39: {  	s23 =	rddreg [dreg:$0x4];
	[sflag:s25] =	ssyncadd.s32 $0xFFFFE000  }
0x3a: {  	s1 =	rddreg [dreg:$0x2]  }
0x3b: {  	s7 =	simm.s32 $0x2;
	s23 =	sadd.s32 s1, s23  }
0x3c: {  	[hbm4b:s23+s4] =	stream.linear.scatter [tilespmem:s20], [sflag:$0xB], $0x2000, $0x38;
	[tilespmem:$0x17400] =	vst v63  }
0x3d: {  	_ =	swait.ge [sflag:s7], $0x2000  }
0x3e: {  	s25 =	rddreg [dreg:$0x9];
	[sflag:s7] =	ssyncset.done $0x0  }
0x3f: {  	s31 =	simm.s32 $0x3;
	[sflag:s7] =	ssyncadd.s32 $0xFFFFE000;
	s25 =	sadd.s32 s1, s25  }
0x40: {  	[hbm4b:s25+s4] =	stream.linear.scatter [tilespmem:s24], [sflag:$0xC], $0x2000, $0x38;
	[tilespmem:$0x17400] =	vst v63  }
0x41: {  	_ =	swait.ge [sflag:s31], $0x2000  }
0x42: {  	[sflag:s31] =	ssyncset.done $0x0  }
0x43: {  	s7 =	sadd.s32 $0x10000, s23;
	s25 =	simm.s32 $0x4;
	[sflag:s31] =	ssyncadd.s32 $0xFFFFE000  }
0x44: {  	[hbm4b:s7+s4] =	stream.linear.scatter [tilespmem:s28], [sflag:$0xD], $0x2000, $0x38;
	[tilespmem:$0x17400] =	vst v63  }
0x45: {  	_ =	swait.ge [sflag:s25], $0x2000  }
0x46: {  	s31 =	rddreg [dreg:$0x8];
	[sflag:s25] =	ssyncset.done $0x0  }
0x47: {  	[sflag:s25] =	ssyncadd.s32 $0xFFFFE000;
	s25 =	sadd.s32 s1, s31;
	s31 =	simm.s32 $0x5  }
0x48: {  	[hbm4b:s25+s4] =	stream.linear.scatter [tilespmem:s29], [sflag:$0xE], $0x2000, $0x38;
	[tilespmem:$0x17400] =	vst v63  }
0x49: {  	_ =	swait.ge [sflag:s31], $0x2000  }
0x4a: {  	[sflag:s31] =	ssyncset.done $0x0  }
0x4b: {  	s7 =	sadd.s32 $0x20000, s23;
	s25 =	simm.s32 $0x6;
	[sflag:s31] =	ssyncadd.s32 $0xFFFFE000  }
0x4c: {  	[hbm4b:s7+s4] =	stream.linear.scatter [tilespmem:s0], [sflag:$0xF], $0x2000, $0x38;
	[tilespmem:$0x17400] =	vst v63  }
0x4d: {  	_ =	swait.ge [sflag:s25], $0x2000  }
0x4e: {  	s31 =	rddreg [dreg:$0x7];
	[sflag:s25] =	ssyncset.done $0x0  }
0x4f: {  	[sflag:s25] =	ssyncadd.s32 $0xFFFFE000;
	s25 =	sadd.s32 s1, s31;
	s31 =	simm.s32 $0x7  }
0x50: {  	[hbm4b:s25+s4] =	stream.linear.scatter [tilespmem:s22], [sflag:$0x10], $0x2000, $0x38;
	[tilespmem:$0x17400] =	vst v63  }
0x51: {  	_ =	swait.ge [sflag:s31], $0x2000  }
0x52: {  	[sflag:s31] =	ssyncset.done $0x0  }
0x53: {  	s7 =	sadd.s32 $0x30000, s23;
	[sflag:s31] =	ssyncadd.s32 $0xFFFFE000  }
0x54: {  	[hbm4b:s7+s4] =	stream.linear.scatter [tilespmem:s26], [sflag:$0x11], $0x2000, $0x38;
	[tilespmem:$0x17400] =	vst v63  }
0x55: {  	_ =	swait.ge [sflag:s8], $0x2000  }
0x56: {  	s31 =	rddreg [dreg:$0x6];
	[sflag:s8] =	ssyncset.done $0x0  }
0x57: {  	[sflag:s8] =	ssyncadd.s32 $0xFFFFE000;
	s25 =	sadd.s32 s1, s31  }
0x58: {  	[hbm4b:s25+s4] =	stream.linear.scatter [tilespmem:s30], [sflag:$0x12], $0x2000, $0x38;
	[tilespmem:$0x17400] =	vst v63  }
0x59: {  	_ =	swait.ge [sflag:s9], $0x2000  }
0x5a: {  	[sflag:s9] =	ssyncset.done $0x0  }
0x5b: {  	s23 =	sadd.s32 $0x40000, s23;
	[sflag:s9] =	ssyncadd.s32 $0xFFFFE000  }
0x5c: {  	[hbm4b:s23+s4] =	stream.linear.scatter [tilespmem:s5], [sflag:$0x13], $0x2000, $0x38;
	[tilespmem:$0x17400] =	vst v63  }
0x5d: {  	_ =	swait.ge [sflag:s10], $0x2000  }
0x5e: {  	s7 =	rddreg [dreg:$0x5];
	[sflag:s10] =	ssyncset.done $0x0  }
0x5f: {  	[sflag:s10] =	ssyncadd.s32 $0xFFFFE000;
	s23 =	sadd.s32 s1, s7  }
0x60: {  	[hbm4b:s23+s4] =	stream.linear.scatter [tilespmem:s6], [sflag:$0x14], $0x2000, $0x38;
	[tilespmem:$0x17400] =	vst v63  }
0x61: {  	_ =	swait.ge [sflag:s11], $0x2000  }
0x62: {  	[sflag:s11] =	ssyncset.done $0x0  }
0x63: {  	s25 =	simm.s32 $0x500;
	[sflag:s11] =	ssyncadd.s32 $0xFFFFE000  }
0x64: {  	[tilespmem:s20], [sflag:$0x1] =	stream.indirect.gather [hbm4b:s2+s18], $0x80, s25, s18, $0xb8;
	[tilespmem:$0x17400] =	vst v63  }
0x65: {  	_ =	swait.ge [sflag:s12], $0x2000  }
0x66: {  	[sflag:s12] =	ssyncset.done $0x0  }
0x67: {  	s31 =	simm.s32 $0x580;
	[sflag:s12] =	ssyncadd.s32 $0xFFFFE000  }
0x68: {  	[tilespmem:s24], [sflag:$0x2] =	stream.indirect.gather [hbm4b:s2+s18], $0x80, s31, s18, $0xb8;
	[tilespmem:$0x17400] =	vst v63  }
0x69: {  	_ =	swait.ge [sflag:s13], $0x2000  }
0x6a: {  	[sflag:s13] =	ssyncset.done $0x0  }
0x6b: {  	s6 =	simm.s32 $0x600;
	[sflag:s13] =	ssyncadd.s32 $0xFFFFE000  }
0x6c: {  	[tilespmem:s28], [sflag:$0x3] =	stream.indirect.gather [hbm4b:s2+s18], $0x80, s6, s18, $0xb8;
	[tilespmem:$0x17400] =	vst v63  }
0x6d: {  	_ =	swait.ge [sflag:s14], $0x2000  }
0x6e: {  	[sflag:s14] =	ssyncset.done $0x0  }
0x6f: {  	s7 =	simm.s32 $0x680;
	[sflag:s14] =	ssyncadd.s32 $0xFFFFE000  }
0x70: {  	[tilespmem:s29], [sflag:$0x4] =	stream.indirect.gather [hbm4b:s2+s18], $0x80, s7, s18, $0xb8;
	[tilespmem:$0x17400] =	vst v63  }
0x71: {  	_ =	swait.ge [sflag:s15], $0x2000  }
0x72: {  	[sflag:s15] =	ssyncset.done $0x0  }
0x73: {  	s20 =	simm.s32 $0x700;
	[sflag:s15] =	ssyncadd.s32 $0xFFFFE000  }
0x74: {  	[tilespmem:s0], [sflag:$0x5] =	stream.indirect.gather [hbm4b:s2+s18], $0x80, s20, s18, $0xb8;
	[tilespmem:$0x17400] =	vst v63  }
0x75: {  	_ =	swait.ge [sflag:s16], $0x2000  }
0x76: {  	[sflag:s16] =	ssyncset.done $0x0  }
0x77: {  	s24 =	simm.s32 $0x780;
	[sflag:s16] =	ssyncadd.s32 $0xFFFFE000  }
0x78: {  	[tilespmem:s22], [sflag:$0x6] =	stream.indirect.gather [hbm4b:s2+s18], $0x80, s24, s18, $0xb8;
	[tilespmem:$0x17400] =	vst v63  }
0x79: {  	_ =	swait.ge [sflag:s17], $0x2000  }
0x7a: {  	[sflag:s17] =	ssyncset.done $0x0  }
0x7b: {  	s25 =	simm.s32 $0x800;
	[sflag:s17] =	ssyncadd.s32 $0xFFFFE000  }
0x7c: {  	[tilespmem:s26], [sflag:$0x7] =	stream.indirect.gather [hbm4b:s2+s18], $0x80, s25, s18, $0xb8;
	[tilespmem:$0x17400] =	vst v63  }
0x7d: {  	_ =	swait.ge [sflag:s3], $0x2000  }
0x7e: {  	[sflag:s3] =	ssyncset.done $0x0  }
0x7f: {  	s29 =	simm.s32 $0x880;
	[sflag:s3] =	ssyncadd.s32 $0xFFFFE000  }
0x80: {  	[tilespmem:s30], [sflag:$0x8] =	stream.indirect.gather [hbm4b:s2+s18], $0x80, s29, s18, $0xb8;
	[tilespmem:$0x17400] =	vst v63  }
0x81: {  	_ =	swait.ge [sflag:s19], $0x2000  }
0x82: {  	[sflag:s19] =	ssyncset.done $0x0  }
0x83: {  	s31 =	simm.s32 $0x900;
	[sflag:s19] =	ssyncadd.s32 $0xFFFFE000  }
0x84: {  	[tilespmem:s5], [sflag:$0x9] =	stream.indirect.gather [hbm4b:s2+s18], $0x80, s31, s18, $0xb8;
	[tilespmem:$0x17400] =	vst v63  }
0x85: {  	_ =	swait.ge [sflag:s21], $0x2000  }
0x86: {  	s23 =	simm.s32 $0x1400;
	[sflag:s21] =	ssyncset.done $0x0  }
0x87: {  	s28 =	simm.s32 $0x980;
	s25 =	sadd.s32 $0x50000, s1;
	[sflag:s21] =	ssyncadd.s32 $0xFFFFE000  }
.LBB2_2:
0x88: {  	s7 =	simm.s32 $0x15400;
	s0 =	simm.s32 $0x1  }
0x89: {  	[tilespmem:s7], [sflag:$0xA] =	stream.indirect.gather [hbm4b:s2+s18], $0x80, s28, s18, $0xb8;
	[tilespmem:$0x17400] =	vst v63  }
0x8a: {  	_ =	swait.ge [sflag:s0], $0x2000  }
0x8b: {  	s20 =	simm.s32 $0x3400;
	s30 =	rddreg [dreg:$0x4];
	[sflag:s0] =	ssyncset.done $0x0  }
0x8c: {  	s26 =	simm.s32 $0x2;
	[sflag:s0] =	ssyncadd.s32 $0xFFFFE000;
	s30 =	sadd.s32 s25, s30  }
0x8d: {  	[hbm4b:s30+s4] =	stream.linear.scatter [tilespmem:s20], [sflag:$0xB], $0x2000, $0x38;
	[tilespmem:$0x17400] =	vst v63  }
0x8e: {  	_ =	swait.ge [sflag:s26], $0x2000  }
0x8f: {  	s24 =	simm.s32 $0x5400;
	s1 =	rddreg [dreg:$0x9];
	[sflag:s26] =	ssyncset.done $0x0  }
0x90: {  	s5 =	simm.s32 $0x3;
	[sflag:s26] =	ssyncadd.s32 $0xFFFFE000;
	s1 =	sadd.s32 s25, s1  }
0x91: {  	[hbm4b:s1+s4] =	stream.linear.scatter [tilespmem:s24], [sflag:$0xC], $0x2000, $0x38;
	[tilespmem:$0x17400] =	vst v63  }
0x92: {  	_ =	swait.ge [sflag:s5], $0x2000  }
0x93: {  	s29 =	simm.s32 $0x7400;
	[sflag:s5] =	ssyncset.done $0x0  }
0x94: {  	s22 =	simm.s32 $0x4;
	s6 =	sadd.s32 $0x10000, s30;
	[sflag:s5] =	ssyncadd.s32 $0xFFFFE000  }
0x95: {  	[hbm4b:s6+s4] =	stream.linear.scatter [tilespmem:s29], [sflag:$0xD], $0x2000, $0x38;
	[tilespmem:$0x17400] =	vst v63  }
0x96: {  	_ =	swait.ge [sflag:s22], $0x2000  }
0x97: {  	s31 =	simm.s32 $0x9400;
	s26 =	rddreg [dreg:$0x8];
	[sflag:s22] =	ssyncset.done $0x0  }
0x98: {  	s5 =	simm.s32 $0x5;
	[sflag:s22] =	ssyncadd.s32 $0xFFFFE000;
	s1 =	sadd.s32 s25, s26  }
0x99: {  	[hbm4b:s1+s4] =	stream.linear.scatter [tilespmem:s31], [sflag:$0xE], $0x2000, $0x38;
	[tilespmem:$0x17400] =	vst v63  }
0x9a: {  	_ =	swait.ge [sflag:s5], $0x2000  }
0x9b: {  	s0 =	simm.s32 $0xB400;
	[sflag:s5] =	ssyncset.done $0x0  }
0x9c: {  	s6 =	sadd.s32 $0x20000, s30;
	[sflag:s5] =	ssyncadd.s32 $0xFFFFE000;
	s5 =	simm.s32 $0x6  }
0x9d: {  	[hbm4b:s6+s4] =	stream.linear.scatter [tilespmem:s0], [sflag:$0xF], $0x2000, $0x38;
	[tilespmem:$0x17400] =	vst v63  }
0x9e: {  	_ =	swait.ge [sflag:s5], $0x2000  }
0x9f: {  	s26 =	simm.s32 $0x7;
	s22 =	rddreg [dreg:$0x7];
	[sflag:s5] =	ssyncset.done $0x0  }
0xa0: {  	[sflag:s5] =	ssyncadd.s32 $0xFFFFE000;
	s1 =	sadd.s32 s25, s22;
	s22 =	simm.s32 $0xD400  }
0xa1: {  	[hbm4b:s1+s4] =	stream.linear.scatter [tilespmem:s22], [sflag:$0x10], $0x2000, $0x38;
	[tilespmem:$0x17400] =	vst v63  }
0xa2: {  	_ =	swait.ge [sflag:s26], $0x2000  }
0xa3: {  	[sflag:s26] =	ssyncset.done $0x0  }
0xa4: {  	s5 =	sadd.s32 $0x30000, s30;
	[sflag:s26] =	ssyncadd.s32 $0xFFFFE000;
	s26 =	simm.s32 $0xF400  }
0xa5: {  	[hbm4b:s5+s4] =	stream.linear.scatter [tilespmem:s26], [sflag:$0x11], $0x2000, $0x38;
	[tilespmem:$0x17400] =	vst v63  }
0xa6: {  	_ =	swait.ge [sflag:s8], $0x2000  }
0xa7: {  	s6 =	rddreg [dreg:$0x6];
	[sflag:s8] =	ssyncset.done $0x0  }
0xa8: {  	s5 =	simm.s32 $0x11400;
	[sflag:s8] =	ssyncadd.s32 $0xFFFFE000;
	s1 =	sadd.s32 s25, s6  }
0xa9: {  	[hbm4b:s1+s4] =	stream.linear.scatter [tilespmem:s5], [sflag:$0x12], $0x2000, $0x38;
	[tilespmem:$0x17400] =	vst v63  }
0xaa: {  	_ =	swait.ge [sflag:s9], $0x2000  }
0xab: {  	[sflag:s9] =	ssyncset.done $0x0  }
0xac: {  	s6 =	simm.s32 $0x13400;
	s1 =	sadd.s32 $0x40000, s30;
	[sflag:s9] =	ssyncadd.s32 $0xFFFFE000  }
0xad: {  	[hbm4b:s1+s4] =	stream.linear.scatter [tilespmem:s6], [sflag:$0x13], $0x2000, $0x38;
	[tilespmem:$0x17400] =	vst v63  }
0xae: {  	_ =	swait.ge [sflag:s10], $0x2000  }
0xaf: {  	s1 =	rddreg [dreg:$0x5];
	[sflag:s10] =	ssyncset.done $0x0  }
0xb0: {  	[sflag:s10] =	ssyncadd.s32 $0xFFFFE000;
	s1 =	sadd.s32 s25, s1  }
0xb1: {  	[hbm4b:s1+s4] =	stream.linear.scatter [tilespmem:s7], [sflag:$0x14], $0x2000, $0x38;
	[tilespmem:$0x17400] =	vst v63  }
0xb2: {  	s28 =	smov.u32 s23;
	_ =	swait.ge [sflag:s11], $0x2000  }
0xb3: {  	s28 =	sshra.s32 s28, $0x2;
	[sflag:s11] =	ssyncset.done $0x0  }
0xb4: {  	s7 =	sadd.s32 $0x500, s28;
	[sflag:s11] =	ssyncadd.s32 $0xFFFFE000  }
0xb5: {  	[tilespmem:s20], [sflag:$0x1] =	stream.indirect.gather [hbm4b:s2+s18], $0x80, s7, s18, $0xb8;
	[tilespmem:$0x17400] =	vst v63  }
0xb6: {  	_ =	swait.ge [sflag:s12], $0x2000  }
0xb7: {  	[sflag:s12] =	ssyncset.done $0x0  }
0xb8: {  	s7 =	sadd.s32 $0x580, s28;
	[sflag:s12] =	ssyncadd.s32 $0xFFFFE000  }
0xb9: {  	[tilespmem:s24], [sflag:$0x2] =	stream.indirect.gather [hbm4b:s2+s18], $0x80, s7, s18, $0xb8;
	[tilespmem:$0x17400] =	vst v63  }
0xba: {  	_ =	swait.ge [sflag:s13], $0x2000  }
0xbb: {  	[sflag:s13] =	ssyncset.done $0x0  }
0xbc: {  	s7 =	sadd.s32 $0x600, s28;
	[sflag:s13] =	ssyncadd.s32 $0xFFFFE000  }
0xbd: {  	[tilespmem:s29], [sflag:$0x3] =	stream.indirect.gather [hbm4b:s2+s18], $0x80, s7, s18, $0xb8;
	[tilespmem:$0x17400] =	vst v63  }
0xbe: {  	_ =	swait.ge [sflag:s14], $0x2000  }
0xbf: {  	[sflag:s14] =	ssyncset.done $0x0  }
0xc0: {  	s7 =	sadd.s32 $0x680, s28;
	[sflag:s14] =	ssyncadd.s32 $0xFFFFE000  }
0xc1: {  	[tilespmem:s31], [sflag:$0x4] =	stream.indirect.gather [hbm4b:s2+s18], $0x80, s7, s18, $0xb8;
	[tilespmem:$0x17400] =	vst v63  }
0xc2: {  	_ =	swait.ge [sflag:s15], $0x2000  }
0xc3: {  	[sflag:s15] =	ssyncset.done $0x0  }
0xc4: {  	s7 =	sadd.s32 $0x700, s28;
	[sflag:s15] =	ssyncadd.s32 $0xFFFFE000  }
0xc5: {  	[tilespmem:s0], [sflag:$0x5] =	stream.indirect.gather [hbm4b:s2+s18], $0x80, s7, s18, $0xb8;
	[tilespmem:$0x17400] =	vst v63  }
0xc6: {  	_ =	swait.ge [sflag:s16], $0x2000  }
0xc7: {  	[sflag:s16] =	ssyncset.done $0x0  }
0xc8: {  	s7 =	sadd.s32 $0x780, s28;
	[sflag:s16] =	ssyncadd.s32 $0xFFFFE000  }
0xc9: {  	[tilespmem:s22], [sflag:$0x6] =	stream.indirect.gather [hbm4b:s2+s18], $0x80, s7, s18, $0xb8;
	[tilespmem:$0x17400] =	vst v63  }
0xca: {  	_ =	swait.ge [sflag:s17], $0x2000  }
0xcb: {  	[sflag:s17] =	ssyncset.done $0x0  }
0xcc: {  	s7 =	sadd.s32 $0x800, s28;
	[sflag:s17] =	ssyncadd.s32 $0xFFFFE000  }
0xcd: {  	[tilespmem:s26], [sflag:$0x7] =	stream.indirect.gather [hbm4b:s2+s18], $0x80, s7, s18, $0xb8;
	[tilespmem:$0x17400] =	vst v63  }
0xce: {  	_ =	swait.ge [sflag:s3], $0x2000  }
0xcf: {  	p0 =	sne.s32 s23, $0xA000;
	s23 =	sadd.s32 $0x1400, s23;
	[sflag:s3] =	ssyncset.done $0x0  }
0xd0: {  	s30 =	simm.s32 $0x3400;
	s7 =	sadd.s32 $0x880, s28;
	[sflag:s3] =	ssyncadd.s32 $0xFFFFE000  }
0xd1: {  	[tilespmem:s5], [sflag:$0x8] =	stream.indirect.gather [hbm4b:s2+s18], $0x80, s7, s18, $0xb8;
	[tilespmem:$0x17400] =	vst v63  }
0xd2: {  	s25 =	sadd.s32 $0x50000, s25;
	s20 =	simm.s32 $0x5400;
	_ =	swait.ge [sflag:s19], $0x2000  }
0xd3: {  	s24 =	simm.s32 $0x7400;
	s29 =	simm.s32 $0x9400;
	[sflag:s19] =	ssyncset.done $0x0  }
.Ltmp0:
0xd4: {  	s7 =	sadd.s32 $0x900, s28;
	[sflag:s19] =	ssyncadd.s32 $0xFFFFE000;
	(pc) =	sbr.rel @p0 .LBB2_2-.Ltmp0, $4  }
0xd5: {  	[tilespmem:s6], [sflag:$0x9] =	stream.indirect.gather [hbm4b:s2+s18], $0x80, s7, s18, $0xb8;
	[tilespmem:$0x17400] =	vst v63  }
0xd6: {  	s31 =	simm.s32 $0xB400;
	s0 =	simm.s32 $0xD400;
	_ =	swait.ge [sflag:s21], $0x2000  }
0xd7: {  	s22 =	simm.s32 $0xF400;
	s26 =	simm.s32 $0x11400;
	[sflag:s21] =	ssyncset.done $0x0  }
0xd8: {  	s5 =	simm.s32 $0x13400;
	s28 =	sadd.s32 $0x980, s28;
	[sflag:s21] =	ssyncadd.s32 $0xFFFFE000  }
0xd9: {  	s6 =	simm.s32 $0x15400;
	s1 =	simm.s32 $0x1  }
0xda: {  	[tilespmem:s6], [sflag:$0xA] =	stream.indirect.gather [hbm4b:s2+s18], $0x80, s28, s18, $0xb8;
	[tilespmem:$0x17400] =	vst v63  }
0xdb: {  	_ =	swait.ge [sflag:s1], $0x2000  }
0xdc: {  	[sflag:s1] =	ssyncset.done $0x0  }
0xdd: {  	s28 =	rddreg [dreg:$0xc];
	[sflag:s1] =	ssyncadd.s32 $0xFFFFE000  }
0xde: {  	[hbm4b:s28+s4] =	stream.linear.scatter [tilespmem:s30], [sflag:$0xB], $0x2000, $0x38;
	[tilespmem:$0x17400] =	vst v63  }
0xdf: {  	s30 =	simm.s32 $0x2  }
0xe0: {  	_ =	swait.ge [sflag:s30], $0x2000  }
0xe1: {  	[sflag:s30] =	ssyncset.done $0x0  }
0xe2: {  	s7 =	rddreg [dreg:$0xb];
	[sflag:s30] =	ssyncadd.s32 $0xFFFFE000  }
0xe3: {  	[hbm4b:s7+s4] =	stream.linear.scatter [tilespmem:s20], [sflag:$0xC], $0x2000, $0x38;
	[tilespmem:$0x17400] =	vst v63  }
0xe4: {  	s20 =	simm.s32 $0x3  }
0xe5: {  	_ =	swait.ge [sflag:s20], $0x2000  }
0xe6: {  	[sflag:s20] =	ssyncset.done $0x0  }
0xe7: {  	s25 =	simm.s32 $0x4;
	s23 =	rddreg [dreg:$0xd];
	[sflag:s20] =	ssyncadd.s32 $0xFFFFE000  }
0xe8: {  	[hbm4b:s23+s4] =	stream.linear.scatter [tilespmem:s24], [sflag:$0xD], $0x2000, $0x38;
	[tilespmem:$0x17400] =	vst v63  }
0xe9: {  	_ =	swait.ge [sflag:s25], $0x2000  }
0xea: {  	[sflag:s25] =	ssyncset.done $0x0  }
0xeb: {  	s28 =	rddreg [dreg:$0xe];
	[sflag:s25] =	ssyncadd.s32 $0xFFFFE000  }
0xec: {  	[hbm4b:s28+s4] =	stream.linear.scatter [tilespmem:s29], [sflag:$0xE], $0x2000, $0x38;
	[tilespmem:$0x17400] =	vst v63  }
0xed: {  	s29 =	simm.s32 $0x5  }
0xee: {  	_ =	swait.ge [sflag:s29], $0x2000  }
0xef: {  	[sflag:s29] =	ssyncset.done $0x0  }
0xf0: {  	s7 =	simm.s32 $0x6;
	s30 =	rddreg [dreg:$0xf];
	[sflag:s29] =	ssyncadd.s32 $0xFFFFE000  }
0xf1: {  	[hbm4b:s30+s4] =	stream.linear.scatter [tilespmem:s31], [sflag:$0xF], $0x2000, $0x38;
	[tilespmem:$0x17400] =	vst v63  }
0xf2: {  	_ =	swait.ge [sflag:s7], $0x2000  }
0xf3: {  	[sflag:s7] =	ssyncset.done $0x0  }
0xf4: {  	s23 =	simm.s32 $0x7;
	s20 =	rddreg [dreg:$0x10];
	[sflag:s7] =	ssyncadd.s32 $0xFFFFE000  }
0xf5: {  	[hbm4b:s20+s4] =	stream.linear.scatter [tilespmem:s0], [sflag:$0x10], $0x2000, $0x38;
	[tilespmem:$0x17400] =	vst v63  }
0xf6: {  	_ =	swait.ge [sflag:s23], $0x2000  }
0xf7: {  	[sflag:s23] =	ssyncset.done $0x0  }
0xf8: {  	s24 =	rddreg [dreg:$0x11];
	[sflag:s23] =	ssyncadd.s32 $0xFFFFE000  }
0xf9: {  	[hbm4b:s24+s4] =	stream.linear.scatter [tilespmem:s22], [sflag:$0x11], $0x2000, $0x38;
	[tilespmem:$0x17400] =	vst v63  }
0xfa: {  	_ =	swait.ge [sflag:s8], $0x2000  }
0xfb: {  	[sflag:s8] =	ssyncset.done $0x0  }
0xfc: {  	s25 =	rddreg [dreg:$0x12];
	[sflag:s8] =	ssyncadd.s32 $0xFFFFE000  }
0xfd: {  	[hbm4b:s25+s4] =	stream.linear.scatter [tilespmem:s26], [sflag:$0x12], $0x2000, $0x38;
	[tilespmem:$0x17400] =	vst v63  }
0xfe: {  	_ =	swait.ge [sflag:s9], $0x2000  }
0xff: {  	[sflag:s9] =	ssyncset.done $0x0  }
0x100: {  	s28 =	rddreg [dreg:$0x13];
	[sflag:s9] =	ssyncadd.s32 $0xFFFFE000  }
0x101: {  	[hbm4b:s28+s4] =	stream.linear.scatter [tilespmem:s5], [sflag:$0x13], $0x2000, $0x38;
	[tilespmem:$0x17400] =	vst v63  }
0x102: {  	_ =	swait.ge [sflag:s10], $0x2000  }
0x103: {  	[sflag:s10] =	ssyncset.done $0x0  }
0x104: {  	s29 =	rddreg [dreg:$0x14];
	[sflag:s10] =	ssyncadd.s32 $0xFFFFE000  }
0x105: {  	[hbm4b:s29+s4] =	stream.linear.scatter [tilespmem:s6], [sflag:$0x14], $0x2000, $0x38;
	[tilespmem:$0x17400] =	vst v63  }
0x106: {  	_ =	swait.ge [sflag:s11], $0x2000  }
0x107: {  	[sflag:s11] =	ssyncset.done $0x0  }
0x108: {  	[sflag:s11] =	ssyncadd.s32 $0xFFFFE000  }
0x109: {  	_ =	swait.ge [sflag:s12], $0x2000  }
0x10a: {  	[sflag:s12] =	ssyncset.done $0x0  }
0x10b: {  	[sflag:s12] =	ssyncadd.s32 $0xFFFFE000  }
0x10c: {  	_ =	swait.ge [sflag:s13], $0x2000  }
0x10d: {  	[sflag:s13] =	ssyncset.done $0x0  }
0x10e: {  	[sflag:s13] =	ssyncadd.s32 $0xFFFFE000  }
0x10f: {  	_ =	swait.ge [sflag:s14], $0x2000  }
0x110: {  	[sflag:s14] =	ssyncset.done $0x0  }
0x111: {  	[sflag:s14] =	ssyncadd.s32 $0xFFFFE000  }
0x112: {  	_ =	swait.ge [sflag:s15], $0x2000  }
0x113: {  	[sflag:s15] =	ssyncset.done $0x0  }
0x114: {  	[sflag:s15] =	ssyncadd.s32 $0xFFFFE000  }
0x115: {  	_ =	swait.ge [sflag:s16], $0x2000  }
0x116: {  	[sflag:s16] =	ssyncset.done $0x0  }
0x117: {  	[sflag:s16] =	ssyncadd.s32 $0xFFFFE000  }
0x118: {  	_ =	swait.ge [sflag:s17], $0x2000  }
0x119: {  	[sflag:s17] =	ssyncset.done $0x0  }
0x11a: {  	[sflag:s17] =	ssyncadd.s32 $0xFFFFE000  }
0x11b: {  	_ =	swait.ge [sflag:s3], $0x2000  }
0x11c: {  	[sflag:s3] =	ssyncset.done $0x0  }
0x11d: {  	[sflag:s3] =	ssyncadd.s32 $0xFFFFE000  }
0x11e: {  	_ =	swait.ge [sflag:s19], $0x2000  }
0x11f: {  	[sflag:s19] =	ssyncset.done $0x0  }
0x120: {  	[sflag:s19] =	ssyncadd.s32 $0xFFFFE000  }
0x121: {  	_ =	swait.ge [sflag:s21], $0x2000  }
0x122: {  	s30 =	rddreg [dreg:$0x16]  }
0x123: {  	s31 =	rddreg [dreg:$0x15];
	s0 =	sadd.s32 $0x1, s30  }
0x124: {  	p0 =	sne.s32 s0, s31  }
.Ltmp1:
0x125: {  	_ = 	snop;
	(pc) =	sbr.rel @p0 .LBB2_1-.Ltmp1, $3  }
0x126: {  	_ =	sdelay $0x1  }
0x127: {  	[sflag:s21] =	ssyncset.done $0x0  }
0x128: {  	[sflag:s21] =	ssyncadd.s32 $0xFFFFE000  }
0x129: {  	_ =	sfence.sel $0x180000  }
0x12a: {  	[bflag:$0x0] =	sbarrier.arrive $0xFFFF  }
0x12b: {  	_ =	strace $0x90000047  }
0x12c: {  	s0 =	stileid.u32;
	[bflag:$0x2] =	sbarrier.arrive $0xFFFF  }
0x12d: {  	p0 =	sne.s32 s0, $0x0;
	s0 =	rddreg [dreg:$0x3]  }
0x12e: {  	s0 =	sadd.s32 @!p0 $0x100000, s0  }
0x12f: {  	[sflag:s0] =	ssyncadd.tile.s32 @!p0 $0x1;
	_ =	shalt  }
.Lfunc_end2:
_tile_overlayer_lowered:
.L_overlay_start_2:
0x130: {  	(tag) =	ssettag $0x2  }
0x131: {  	s0 =	rddreg [dreg:$0x0];
	s2 =	stileid.u32  }
0x132: {  	s1 =	rddreg [dreg:$0x1];
	p0 =	sne.s32 s2, $0x0  }
0x133: {  	s3 =	rddreg [dreg:$0x2];
	[bflag:$0x3] =	sbarrier.arrive $0xFFFF;
	s2 =	simm.s32 @!p0 $0x1C15  }
0x134: {  	[timem:s3], [sflag:s2] =	dma.local @!p0 [hbm:s0], s1  }
0x135: {  	s0 =	simm.s32 @!p0 $0x15  }
0x136: {  	_ =	swait.ge @!p0 [sflag:s0], s1  }
0x137: {  	s1 =	ssub.s32 @!p0 $0x0, s1;
	[sflag:s0] =	ssyncset.done @!p0 $0x0  }
0x138: {  	[sflag:s0] =	ssyncadd.s32 @!p0 s1  }
0x139: {  	[bflag:$0x3] =	sbarrier.arrive $0xFFFF  }
0x13a: {  	_ =	shalt  }

</sc_bundles>
